<compile_context>
chip_gen: v7x
topology: tpu7x:2x2x1
jax: 0.10.2.dev20260603
libtpu: 0.0.44.dev20260713+nightly
codegen_flags: <defaults>
</compile_context>

<pallas_src>
import jax
import jax.numpy as jnp
from jax import lax
from jax.experimental import pallas as pl
from jax.experimental.pallas import tpu as pltpu
from jax.experimental.pallas import tpu_sc as plsc

D_MODEL = 64
N_ROWS = 4096
SEQ = 200
B = N_ROWS * SEQ
NC, NS = 2, 16
NW = NC * NS
B_PER_W = B // NW
CH = 64
NCHUNK = B_PER_W // CH
TB = SEQ // 8
NBUF = 4
LAG = 2
SCALE = 8.0

_mesh = plsc.VectorSubcoreMesh(core_axis_name="c", subcore_axis_name="s")


def _sc_body(idx_hbm, table_hbm, out_hbm, idx_v, r0, r1, r2, r3,
             b0, b1, b2, b3, g0, g1, g2, g3, o0, o1, o2, o3):
    rows = (r0, r1, r2, r3)
    obuf = (b0, b1, b2, b3)
    gsem = (g0, g1, g2, g3)
    osem = (o0, o1, o2, o3)
    wid = lax.axis_index("s") * NC + lax.axis_index("c")

    pltpu.sync_copy(idx_hbm.at[wid], idx_v)

    def out_ref(j):
        return out_hbm.at[wid * 16 + j // TB, pl.ds((j % TB) * 4, 4)]

    def gather(j, b):
        return pltpu.make_async_copy(table_hbm.at[idx_v.at[j]], rows[b],
                                     gsem[b])

    def out_copy(j, b):
        return pltpu.make_async_copy(obuf[b], out_ref(j), osem[b])

    def scale_repack(b):
        src, dst = rows[b], obuf[b]

        @pl.loop(0, CH)
        def _(k):
            a8 = k >> 3
            t8 = k & 7
            cl = t8 >> 1
            l0 = (t8 & 1) * D_MODEL
            for c in range(D_MODEL // 16):
                dst[cl, a8, pl.ds(l0 + c * 16, 16)] = (
                    src[k, pl.ds(c * 16, 16)] * SCALE)

    for j in range(LAG):
        gather(j, j % NBUF).start()

    @pl.loop(0, NCHUNK // NBUF)
    def _(g):
        j0 = g * NBUF
        for b in range(NBUF):
            j = j0 + b
            bp = (b + LAG) % NBUF

            @pl.when(j >= LAG)
            def _():
                out_copy(j - LAG, bp).wait()

            @pl.when(j + LAG < NCHUNK)
            def _():
                gather(j + LAG, bp).start()

            gather(j, b).wait()
            scale_repack(b)
            out_copy(j, b).start()

    for j in range(NCHUNK - LAG, NCHUNK):
        out_copy(j, j % NBUF).wait()


_sc_call = pl.kernel(
    _sc_body,
    out_type=jax.ShapeDtypeStruct((N_ROWS // 8, SEQ * D_MODEL // 128, 8, 128),
                                  jnp.float32),
    mesh=_mesh,
    compiler_params=pltpu.CompilerParams(use_tc_tiling_on_sc=False),
    scratch_types=[
        pltpu.VMEM((NCHUNK, CH), jnp.int32),
        pltpu.VMEM((CH, D_MODEL), jnp.float32),
        pltpu.VMEM((CH, D_MODEL), jnp.float32),
        pltpu.VMEM((CH, D_MODEL), jnp.float32),
        pltpu.VMEM((CH, D_MODEL), jnp.float32),
        pltpu.VMEM((4, 8, 128), jnp.float32),
        pltpu.VMEM((4, 8, 128), jnp.float32),
        pltpu.VMEM((4, 8, 128), jnp.float32),
        pltpu.VMEM((4, 8, 128), jnp.float32),
        pltpu.SemaphoreType.DMA,
        pltpu.SemaphoreType.DMA,
        pltpu.SemaphoreType.DMA,
        pltpu.SemaphoreType.DMA,
        pltpu.SemaphoreType.DMA,
        pltpu.SemaphoreType.DMA,
        pltpu.SemaphoreType.DMA,
        pltpu.SemaphoreType.DMA,
    ],
)


def kernel(x, table):
    xw = (x.astype(jnp.int32)
          .reshape(NW, 16, 8, TB, 8)
          .transpose(0, 1, 3, 2, 4)
          .reshape(NW, NCHUNK, CH))
    tbl_pinned = lax.optimization_barrier(table)
    tbl2 = lax.optimization_barrier(tbl_pinned.reshape(500000, 2 * D_MODEL))
    tbl = tbl2.reshape(1000000, D_MODEL)
    out4 = lax.optimization_barrier(_sc_call(xw, tbl))
    return out4.transpose(0, 2, 1, 3).reshape(N_ROWS, SEQ, D_MODEL)

# --- scband reference (transcript-rebuilt; emitter-appended) ---
"""Pipeline reference for scband-input-embeddings-1881195676295 (READ-ONLY COPY).

The authoritative reference and input builder live on the scoring server;
editing this copy changes nothing except your own understanding.
"""

import jax, jax.numpy as jnp
import numpy as np
import math

VOCAB_SIZE = 1000000
D_MODEL = 64

def setup_inputs(seed: int = 0) -> dict:
    key = jax.random.key(seed)
    k1, k2 = jax.random.split(key)
    x = jax.random.randint(k1, (4096, 200), 0, VOCAB_SIZE, dtype=jnp.int64 if jax.config.jax_enable_x64 else jnp.int32)
    table = jax.random.normal(k2, (VOCAB_SIZE, D_MODEL), dtype=jnp.float32)
    return {"x": x, "table": table}

def reference(x, table):
    # nn.Embedding lookup followed by scaling by sqrt(d_model)
    emb = jnp.take(table, x, axis=0)
    return emb * math.sqrt(D_MODEL)

if __name__ == "__main__":
    import jax
    _d = setup_inputs()
    print(jax.jit(kernel)(*tuple(_d.values())))

</pallas_src>

<mosaic_0001>
#map = affine_map<(d0, d1) -> (0, 0, 0)>
#map1 = affine_map<(d0, d1) -> (0, 0)>
#map2 = affine_map<(d0, d1) -> (0, 0, 0, 0)>
module attributes {stable_mosaic.version = 14 : i64} {
  func.func @_sc_body(%arg0: i32, %arg1: i32, %arg2: memref<32x400x64xi32, #tpu.memory_space<hbm>>, %arg3: memref<1000000x64xf32, #tpu.memory_space<hbm>>, %arg4: memref<512x100x8x128xf32, #tpu.memory_space<hbm>>, %arg5: memref<400x64xi32, #tpu.memory_space<vmem>>, %arg6: memref<64x64xf32, #tpu.memory_space<vmem>>, %arg7: memref<64x64xf32, #tpu.memory_space<vmem>>, %arg8: memref<64x64xf32, #tpu.memory_space<vmem>>, %arg9: memref<64x64xf32, #tpu.memory_space<vmem>>, %arg10: memref<4x8x128xf32, #tpu.memory_space<vmem>>, %arg11: memref<4x8x128xf32, #tpu.memory_space<vmem>>, %arg12: memref<4x8x128xf32, #tpu.memory_space<vmem>>, %arg13: memref<4x8x128xf32, #tpu.memory_space<vmem>>, %arg14: memref<!tpu.dma_semaphore, #tpu.memory_space<semaphore_mem>>, %arg15: memref<!tpu.dma_semaphore, #tpu.memory_space<semaphore_mem>>, %arg16: memref<!tpu.dma_semaphore, #tpu.memory_space<semaphore_mem>>, %arg17: memref<!tpu.dma_semaphore, #tpu.memory_space<semaphore_mem>>, %arg18: memref<!tpu.dma_semaphore, #tpu.memory_space<semaphore_mem>>, %arg19: memref<!tpu.dma_semaphore, #tpu.memory_space<semaphore_mem>>, %arg20: memref<!tpu.dma_semaphore, #tpu.memory_space<semaphore_mem>>, %arg21: memref<!tpu.dma_semaphore, #tpu.memory_space<semaphore_mem>>) attributes {dimension_semantics = [#tpu.dimension_semantics<core_parallel>, #tpu.dimension_semantics<subcore_parallel>], iteration_bounds = array<i64: 2, 16>, scalar_prefetch = 0 : i64, scratch_operands = 17 : i64, tpu.core_type = #tpu.core_type<sc_vector_subcore>, window_params = [{transform_indices = #map}, {transform_indices = #map1}, {transform_indices = #map2}]} {
    %mul3A = arith.constant 2 : i32
    %mul3A_0 = arith.muli %arg1, %mul3A : i32
    %add3A = arith.addi %mul3A_0, %arg0 : i32
    "tpu.region"() ({
      %run_scoped3A = tpu.sem_alloc : memref<!tpu.dma_semaphore, #tpu.memory_space<semaphore_mem>>
      %dma_start3A_45 = arith.constant 0 : i32
      %dma_start3A_46 = arith.constant 0 : i32
      %dma_start3A_47 = tpu.memref_slice %arg2[%add3A, %dma_start3A_45, %dma_start3A_46] : memref<32x400x64xi32, #tpu.memory_space<hbm>> -> memref<1x400x64xi32, #tpu.memory_space<hbm>>
      %dma_start3A_48 = tpu.memref_squeeze %dma_start3A_47 : memref<1x400x64xi32, #tpu.memory_space<hbm>> -> memref<400x64xi32, #tpu.memory_space<hbm>>
      %dma_start3A_49 = arith.constant 0 : i32
      %dma_start3A_50 = arith.constant 0 : i32
      %dma_start3A_51 = tpu.memref_slice %arg2[%add3A, %dma_start3A_49, %dma_start3A_50] : memref<32x400x64xi32, #tpu.memory_space<hbm>> -> memref<1x400x64xi32, #tpu.memory_space<hbm>>
      %dma_start3A_52 = tpu.memref_squeeze %dma_start3A_51 : memref<1x400x64xi32, #tpu.memory_space<hbm>> -> memref<400x64xi32, #tpu.memory_space<hbm>>
      tpu.enqueue_dma source(%dma_start3A_52 : memref<400x64xi32, #tpu.memory_space<hbm>>) target(%arg5 : memref<400x64xi32, #tpu.memory_space<vmem>>) target_semaphore(%run_scoped3A : memref<!tpu.dma_semaphore, #tpu.memory_space<semaphore_mem>>)
      %dma_wait3A_53 = arith.constant 0 : i32
      %dma_wait3A_54 = arith.constant 0 : i32
      %dma_wait3A_55 = tpu.memref_slice %arg2[%add3A, %dma_wait3A_53, %dma_wait3A_54] : memref<32x400x64xi32, #tpu.memory_space<hbm>> -> memref<1x400x64xi32, #tpu.memory_space<hbm>>
      %dma_wait3A_56 = tpu.memref_squeeze %dma_wait3A_55 : memref<1x400x64xi32, #tpu.memory_space<hbm>> -> memref<400x64xi32, #tpu.memory_space<hbm>>
      %dma_wait3A_57 = arith.constant 0 : i32
      %dma_wait3A_58 = arith.constant 0 : i32
      %dma_wait3A_59 = tpu.memref_slice %arg2[%add3A, %dma_wait3A_57, %dma_wait3A_58] : memref<32x400x64xi32, #tpu.memory_space<hbm>> -> memref<1x400x64xi32, #tpu.memory_space<hbm>>
      %dma_wait3A_60 = tpu.memref_squeeze %dma_wait3A_59 : memref<1x400x64xi32, #tpu.memory_space<hbm>> -> memref<400x64xi32, #tpu.memory_space<hbm>>
      tpu.wait_dma2 semaphore(%run_scoped3A : memref<!tpu.dma_semaphore, #tpu.memory_space<semaphore_mem>>) src(%dma_wait3A_60 : memref<400x64xi32, #tpu.memory_space<hbm>>) dst(%arg5 : memref<400x64xi32, #tpu.memory_space<vmem>>)
      tpu.yield
    }) : () -> ()
    %dma_start3A = arith.constant 0 : i32
    %dma_start3A_1 = arith.constant 0 : i32
    %dma_start3A_2 = tpu.memref_slice %arg5[%dma_start3A, %dma_start3A_1] : memref<400x64xi32, #tpu.memory_space<vmem>> -> memref<1x64xi32, #tpu.memory_space<vmem>>
    %dma_start3A_3 = tpu.memref_squeeze %dma_start3A_2 : memref<1x64xi32, #tpu.memory_space<vmem>> -> memref<64xi32, #tpu.memory_space<vmem>>
    %dma_start3A_4 = arith.constant 0 : i32
    %dma_start3A_5 = arith.constant 0 : i32
    %dma_start3A_6 = tpu.memref_slice %arg3[%dma_start3A_4, %dma_start3A_5] : memref<1000000x64xf32, #tpu.memory_space<hbm>> -> memref<1000000x64xf32, #tpu.memory_space<hbm>>
    tpu.enqueue_indirect_dma source(%dma_start3A_6 : memref<1000000x64xf32, #tpu.memory_space<hbm>>) target(%arg6 : memref<64x64xf32, #tpu.memory_space<vmem>>) offsets(%dma_start3A_3 : memref<64xi32, #tpu.memory_space<vmem>>) semaphore(%arg14 : memref<!tpu.dma_semaphore, #tpu.memory_space<semaphore_mem>>)
    %dma_start3A_7 = arith.constant 1 : i32
    %dma_start3A_8 = arith.constant 0 : i32
    %dma_start3A_9 = tpu.memref_slice %arg5[%dma_start3A_7, %dma_start3A_8] : memref<400x64xi32, #tpu.memory_space<vmem>> -> memref<1x64xi32, #tpu.memory_space<vmem>>
    %dma_start3A_10 = tpu.memref_squeeze %dma_start3A_9 : memref<1x64xi32, #tpu.memory_space<vmem>> -> memref<64xi32, #tpu.memory_space<vmem>>
    %dma_start3A_11 = arith.constant 0 : i32
    %dma_start3A_12 = arith.constant 0 : i32
    %dma_start3A_13 = tpu.memref_slice %arg3[%dma_start3A_11, %dma_start3A_12] : memref<1000000x64xf32, #tpu.memory_space<hbm>> -> memref<1000000x64xf32, #tpu.memory_space<hbm>>
    tpu.enqueue_indirect_dma source(%dma_start3A_13 : memref<1000000x64xf32, #tpu.memory_space<hbm>>) target(%arg7 : memref<64x64xf32, #tpu.memory_space<vmem>>) offsets(%dma_start3A_10 : memref<64xi32, #tpu.memory_space<vmem>>) semaphore(%arg15 : memref<!tpu.dma_semaphore, #tpu.memory_space<semaphore_mem>>)
    %scan3A = arith.constant 0 : i32
    %scan3A_14 = arith.constant 100 : i32
    %scan3A_15 = arith.addi %scan3A, %scan3A_14 : i32
    %scan3A_16 = arith.constant 1 : i32
    scf.for %scan3A_45 = %scan3A to %scan3A_15 step %scan3A_16  : i32 {
      %mul3A_46 = arith.constant 1 : i32
      %mul3A_47 = arith.muli %scan3A_45, %mul3A_46 : i32
      %add3A_48 = arith.constant 0 : i32
      %add3A_49 = arith.addi %add3A_48, %mul3A_47 : i32
      %mul3A_50 = arith.constant 4 : i32
      %mul3A_51 = arith.muli %add3A_49, %mul3A_50 : i32
      %add3A_52 = arith.constant 0 : i32
      %add3A_53 = arith.addi %mul3A_51, %add3A_52 : i32
      %ge3A = arith.constant 2 : i32
      %ge3A_54 = arith.cmpi sge, %add3A_53, %ge3A : i32
      %convert_element_type3A = arith.extui %ge3A_54 : i1 to i32
      %cond3A = arith.constant 0 : i32
      %cond3A_55 = arith.cmpi ne, %convert_element_type3A, %cond3A : i32
      scf.if %cond3A_55 {
        %sub3A_351 = arith.constant 2 : i32
        %sub3A_352 = arith.subi %add3A_53, %sub3A_351 : i32
        %mul3A_353 = arith.constant 16 : i32
        %mul3A_354 = arith.muli %add3A, %mul3A_353 : i32
        %jit3A_355 = arith.constant 25 : i32
        %div3A_356 = arith.divsi %sub3A_352, %jit3A_355 : i32
        %sign3A_357 = arith.constant 0 : i32
        %sign3A_358 = arith.cmpi sgt, %sub3A_352, %sign3A_357 : i32
        %sign3A_359 = arith.extui %sign3A_358 : i1 to i32
        %sign3A_360 = arith.constant 0 : i32
        %sign3A_361 = arith.cmpi slt, %sub3A_352, %sign3A_360 : i32
        %sign3A_362 = arith.extui %sign3A_361 : i1 to i32
        %sign3A_363 = arith.subi %sign3A_359, %sign3A_362 : i32
        %sign3A_364 = arith.constant 0 : i32
        %sign3A_365 = arith.cmpi sgt, %jit3A_355, %sign3A_364 : i32
        %sign3A_366 = arith.extui %sign3A_365 : i1 to i32
        %sign3A_367 = arith.constant 0 : i32
        %sign3A_368 = arith.cmpi slt, %jit3A_355, %sign3A_367 : i32
        %sign3A_369 = arith.extui %sign3A_368 : i1 to i32
        %sign3A_370 = arith.subi %sign3A_366, %sign3A_369 : i32
        %ne3A_371 = arith.cmpi ne, %sign3A_363, %sign3A_370 : i32
        %rem3A_372 = arith.remsi %sub3A_352, %jit3A_355 : i32
        %ne3A_373 = arith.constant 0 : i32
        %ne3A_374 = arith.cmpi ne, %rem3A_372, %ne3A_373 : i32
        %and3A_375 = arith.andi %ne3A_371, %ne3A_374 : i1
        %sub3A_376 = arith.constant 1 : i32
        %sub3A_377 = arith.subi %div3A_356, %sub3A_376 : i32
        %select_n3A_378 = arith.select %and3A_375, %sub3A_377, %div3A_356 : i32
        %add3A_379 = arith.addi %mul3A_354, %select_n3A_378 : i32
        %jit3A_380 = arith.constant 25 : i32
        %eq3A_381 = arith.constant 0 : i32
        %eq3A_382 = arith.cmpi eq, %jit3A_380, %eq3A_381 : i32
        %jit3A_383 = arith.constant 1 : i32
        %select_n3A_384 = arith.select %eq3A_382, %jit3A_383, %jit3A_380 : i32
        %rem3A_385 = arith.remsi %sub3A_352, %select_n3A_384 : i32
        %ne3A_386 = arith.constant 0 : i32
        %ne3A_387 = arith.cmpi ne, %rem3A_385, %ne3A_386 : i32
        %lt3A_388 = arith.constant 0 : i32
        %lt3A_389 = arith.cmpi slt, %rem3A_385, %lt3A_388 : i32
        %lt3A_390 = arith.constant 0 : i32
        %lt3A_391 = arith.cmpi slt, %select_n3A_384, %lt3A_390 : i32
        %ne3A_392 = arith.xori %lt3A_389, %lt3A_391 : i1
        %and3A_393 = arith.andi %ne3A_392, %ne3A_387 : i1
        %add3A_394 = arith.addi %rem3A_385, %select_n3A_384 : i32
        %select_n3A_395 = arith.select %and3A_393, %add3A_394, %rem3A_385 : i32
        %mul3A_396 = arith.constant 4 : i32
        %mul3A_397 = arith.muli %select_n3A_395, %mul3A_396 : i32
        %dma_wait3A_398 = arith.constant 0 : i32
        %dma_wait3A_399 = arith.constant 0 : i32
        %dma_wait3A_400 = tpu.memref_slice %arg4[%add3A_379, %mul3A_397, %dma_wait3A_398, %dma_wait3A_399] : memref<512x100x8x128xf32, #tpu.memory_space<hbm>> -> memref<1x4x8x128xf32, #tpu.memory_space<hbm>>
        %dma_wait3A_401 = tpu.memref_squeeze %dma_wait3A_400 : memref<1x4x8x128xf32, #tpu.memory_space<hbm>> -> memref<4x8x128xf32, #tpu.memory_space<hbm>>
        %dma_wait3A_402 = arith.constant 0 : i32
        %dma_wait3A_403 = arith.constant 0 : i32
        %dma_wait3A_404 = tpu.memref_slice %arg4[%add3A_379, %mul3A_397, %dma_wait3A_402, %dma_wait3A_403] : memref<512x100x8x128xf32, #tpu.memory_space<hbm>> -> memref<1x4x8x128xf32, #tpu.memory_space<hbm>>
        %dma_wait3A_405 = tpu.memref_squeeze %dma_wait3A_404 : memref<1x4x8x128xf32, #tpu.memory_space<hbm>> -> memref<4x8x128xf32, #tpu.memory_space<hbm>>
        tpu.wait_dma2 semaphore(%arg20 : memref<!tpu.dma_semaphore, #tpu.memory_space<semaphore_mem>>) src(%arg12 : memref<4x8x128xf32, #tpu.memory_space<vmem>>) dst(%dma_wait3A_405 : memref<4x8x128xf32, #tpu.memory_space<hbm>>)
      } else {
      }
      %add3A_56 = arith.constant 2 : i32
      %add3A_57 = arith.addi %add3A_53, %add3A_56 : i32
      %lt3A = arith.constant 400 : i32
      %lt3A_58 = arith.cmpi slt, %add3A_57, %lt3A : i32
      %convert_element_type3A_59 = arith.extui %lt3A_58 : i1 to i32
      %cond3A_60 = arith.constant 0 : i32
      %cond3A_61 = arith.cmpi ne, %convert_element_type3A_59, %cond3A_60 : i32
      scf.if %cond3A_61 {
        %add3A_351 = arith.constant 2 : i32
        %add3A_352 = arith.addi %add3A_53, %add3A_351 : i32
        %dma_start3A_353 = arith.constant 0 : i32
        %dma_start3A_354 = tpu.memref_slice %arg5[%add3A_352, %dma_start3A_353] : memref<400x64xi32, #tpu.memory_space<vmem>> -> memref<1x64xi32, #tpu.memory_space<vmem>>
        %dma_start3A_355 = tpu.memref_squeeze %dma_start3A_354 : memref<1x64xi32, #tpu.memory_space<vmem>> -> memref<64xi32, #tpu.memory_space<vmem>>
        %dma_start3A_356 = arith.constant 0 : i32
        %dma_start3A_357 = arith.constant 0 : i32
        %dma_start3A_358 = tpu.memref_slice %arg3[%dma_start3A_356, %dma_start3A_357] : memref<1000000x64xf32, #tpu.memory_space<hbm>> -> memref<1000000x64xf32, #tpu.memory_space<hbm>>
        tpu.enqueue_indirect_dma source(%dma_start3A_358 : memref<1000000x64xf32, #tpu.memory_space<hbm>>) target(%arg8 : memref<64x64xf32, #tpu.memory_space<vmem>>) offsets(%dma_start3A_355 : memref<64xi32, #tpu.memory_space<vmem>>) semaphore(%arg16 : memref<!tpu.dma_semaphore, #tpu.memory_space<semaphore_mem>>)
      } else {
      }
      %dma_wait3A_62 = arith.constant 0 : i32
      %dma_wait3A_63 = tpu.memref_slice %arg5[%add3A_53, %dma_wait3A_62] : memref<400x64xi32, #tpu.memory_space<vmem>> -> memref<1x64xi32, #tpu.memory_space<vmem>>
      %dma_wait3A_64 = tpu.memref_squeeze %dma_wait3A_63 : memref<1x64xi32, #tpu.memory_space<vmem>> -> memref<64xi32, #tpu.memory_space<vmem>>
      %dma_wait3A_65 = arith.constant 0 : i32
      %dma_wait3A_66 = arith.constant 0 : i32
      %dma_wait3A_67 = tpu.memref_slice %arg3[%dma_wait3A_65, %dma_wait3A_66] : memref<1000000x64xf32, #tpu.memory_space<hbm>> -> memref<1000000x64xf32, #tpu.memory_space<hbm>>
      tpu.wait_indirect_dma semaphore(%arg14 : memref<!tpu.dma_semaphore, #tpu.memory_space<semaphore_mem>>) src(%dma_wait3A_67 : memref<1000000x64xf32, #tpu.memory_space<hbm>>) dst(%arg6 : memref<64x64xf32, #tpu.memory_space<vmem>>)
      %scan3A_68 = arith.constant 0 : i32
      %scan3A_69 = arith.constant 64 : i32
      %scan3A_70 = arith.addi %scan3A_68, %scan3A_69 : i32
      %scan3A_71 = arith.constant 1 : i32
      scf.for %scan3A_351 = %scan3A_68 to %scan3A_70 step %scan3A_71  : i32 {
        %mul3A_352 = arith.constant 1 : i32
        %mul3A_353 = arith.muli %scan3A_351, %mul3A_352 : i32
        %add3A_354 = arith.constant 0 : i32
        %add3A_355 = arith.addi %add3A_354, %mul3A_353 : i32
        %shift_right_arithmetic3A = arith.constant 3 : i32
        %shift_right_arithmetic3A_356 = arith.shrsi %add3A_355, %shift_right_arithmetic3A : i32
        %and3A_357 = arith.constant 7 : i32
        %and3A_358 = arith.andi %add3A_355, %and3A_357 : i32
        %shift_right_arithmetic3A_359 = arith.constant 1 : i32
        %shift_right_arithmetic3A_360 = arith.shrsi %and3A_358, %shift_right_arithmetic3A_359 : i32
        %and3A_361 = arith.constant 1 : i32
        %and3A_362 = arith.andi %and3A_358, %and3A_361 : i32
        %mul3A_363 = arith.constant 64 : i32
        %mul3A_364 = arith.muli %and3A_362, %mul3A_363 : i32
        %get3A = arith.index_cast %add3A_355 : i32 to index
        %get3A_365 = arith.constant 0 : index
        %get3A_366 = tpu.vector_load %arg6[%get3A, %get3A_365] {strides = array<i32>} : memref<64x64xf32, #tpu.memory_space<vmem>>, vector<1x16xf32>,
        %get3A_367 = vector.shape_cast %get3A_366 : vector<1x16xf32> to vector<16xf32>
        %mul3A_368 = arith.constant 8.000000e+00 : f32
        %mul3A_369 = vector.broadcast %mul3A_368 : f32 to vector<16xf32>
        %mul3A_370 = arith.mulf %get3A_367, %mul3A_369 : vector<16xf32>
        %add3A_371 = arith.constant 0 : i32
        %add3A_372 = arith.addi %mul3A_364, %add3A_371 : i32
        %swap3A = arith.index_cast %shift_right_arithmetic3A_360 : i32 to index
        %swap3A_373 = arith.index_cast %shift_right_arithmetic3A_356 : i32 to index
        %swap3A_374 = arith.index_cast %add3A_372 : i32 to index
        %swap3A_375 = tpu.vector_load %arg10[%swap3A, %swap3A_373, %swap3A_374] {strides = array<i32>} : memref<4x8x128xf32, #tpu.memory_space<vmem>>, vector<1x1x16xf32>,
        %swap3A_376 = vector.shape_cast %swap3A_375 : vector<1x1x16xf32> to vector<16xf32>
        %swap3A_377 = vector.shape_cast %mul3A_370 : vector<16xf32> to vector<1x1x16xf32>
        tpu.vector_store %arg10[%swap3A, %swap3A_373, %swap3A_374], %swap3A_377 {strides = array<i32>} : memref<4x8x128xf32, #tpu.memory_space<vmem>>, vector<1x1x16xf32>,
        %get3A_378 = arith.index_cast %add3A_355 : i32 to index
        %get3A_379 = arith.constant 16 : index
        %get3A_380 = tpu.vector_load %arg6[%get3A_378, %get3A_379] {strides = array<i32>} : memref<64x64xf32, #tpu.memory_space<vmem>>, vector<1x16xf32>,
        %get3A_381 = vector.shape_cast %get3A_380 : vector<1x16xf32> to vector<16xf32>
        %mul3A_382 = arith.constant 8.000000e+00 : f32
        %mul3A_383 = vector.broadcast %mul3A_382 : f32 to vector<16xf32>
        %mul3A_384 = arith.mulf %get3A_381, %mul3A_383 : vector<16xf32>
        %add3A_385 = arith.constant 16 : i32
        %add3A_386 = arith.addi %mul3A_364, %add3A_385 : i32
        %swap3A_387 = arith.index_cast %shift_right_arithmetic3A_360 : i32 to index
        %swap3A_388 = arith.index_cast %shift_right_arithmetic3A_356 : i32 to index
        %swap3A_389 = arith.index_cast %add3A_386 : i32 to index
        %swap3A_390 = tpu.vector_load %arg10[%swap3A_387, %swap3A_388, %swap3A_389] {strides = array<i32>} : memref<4x8x128xf32, #tpu.memory_space<vmem>>, vector<1x1x16xf32>,
        %swap3A_391 = vector.shape_cast %swap3A_390 : vector<1x1x16xf32> to vector<16xf32>
        %swap3A_392 = vector.shape_cast %mul3A_384 : vector<16xf32> to vector<1x1x16xf32>
        tpu.vector_store %arg10[%swap3A_387, %swap3A_388, %swap3A_389], %swap3A_392 {strides = array<i32>} : memref<4x8x128xf32, #tpu.memory_space<vmem>>, vector<1x1x16xf32>,
        %get3A_393 = arith.index_cast %add3A_355 : i32 to index
        %get3A_394 = arith.constant 32 : index
        %get3A_395 = tpu.vector_load %arg6[%get3A_393, %get3A_394] {strides = array<i32>} : memref<64x64xf32, #tpu.memory_space<vmem>>, vector<1x16xf32>,
        %get3A_396 = vector.shape_cast %get3A_395 : vector<1x16xf32> to vector<16xf32>
        %mul3A_397 = arith.constant 8.000000e+00 : f32
        %mul3A_398 = vector.broadcast %mul3A_397 : f32 to vector<16xf32>
        %mul3A_399 = arith.mulf %get3A_396, %mul3A_398 : vector<16xf32>
        %add3A_400 = arith.constant 32 : i32
        %add3A_401 = arith.addi %mul3A_364, %add3A_400 : i32
        %swap3A_402 = arith.index_cast %shift_right_arithmetic3A_360 : i32 to index
        %swap3A_403 = arith.index_cast %shift_right_arithmetic3A_356 : i32 to index
        %swap3A_404 = arith.index_cast %add3A_401 : i32 to index
        %swap3A_405 = tpu.vector_load %arg10[%swap3A_402, %swap3A_403, %swap3A_404] {strides = array<i32>} : memref<4x8x128xf32, #tpu.memory_space<vmem>>, vector<1x1x16xf32>,
        %swap3A_406 = vector.shape_cast %swap3A_405 : vector<1x1x16xf32> to vector<16xf32>
        %swap3A_407 = vector.shape_cast %mul3A_399 : vector<16xf32> to vector<1x1x16xf32>
        tpu.vector_store %arg10[%swap3A_402, %swap3A_403, %swap3A_404], %swap3A_407 {strides = array<i32>} : memref<4x8x128xf32, #tpu.memory_space<vmem>>, vector<1x1x16xf32>,
        %get3A_408 = arith.index_cast %add3A_355 : i32 to index
        %get3A_409 = arith.constant 48 : index
        %get3A_410 = tpu.vector_load %arg6[%get3A_408, %get3A_409] {strides = array<i32>} : memref<64x64xf32, #tpu.memory_space<vmem>>, vector<1x16xf32>,
        %get3A_411 = vector.shape_cast %get3A_410 : vector<1x16xf32> to vector<16xf32>
        %mul3A_412 = arith.constant 8.000000e+00 : f32
        %mul3A_413 = vector.broadcast %mul3A_412 : f32 to vector<16xf32>
        %mul3A_414 = arith.mulf %get3A_411, %mul3A_413 : vector<16xf32>
        %add3A_415 = arith.constant 48 : i32
        %add3A_416 = arith.addi %mul3A_364, %add3A_415 : i32
        %swap3A_417 = arith.index_cast %shift_right_arithmetic3A_360 : i32 to index
        %swap3A_418 = arith.index_cast %shift_right_arithmetic3A_356 : i32 to index
        %swap3A_419 = arith.index_cast %add3A_416 : i32 to index
        %swap3A_420 = tpu.vector_load %arg10[%swap3A_417, %swap3A_418, %swap3A_419] {strides = array<i32>} : memref<4x8x128xf32, #tpu.memory_space<vmem>>, vector<1x1x16xf32>,
        %swap3A_421 = vector.shape_cast %swap3A_420 : vector<1x1x16xf32> to vector<16xf32>
        %swap3A_422 = vector.shape_cast %mul3A_414 : vector<16xf32> to vector<1x1x16xf32>
        tpu.vector_store %arg10[%swap3A_417, %swap3A_418, %swap3A_419], %swap3A_422 {strides = array<i32>} : memref<4x8x128xf32, #tpu.memory_space<vmem>>, vector<1x1x16xf32>,
      }
      %scan3A_72 = arith.constant 64 : i32
      %mul3A_73 = arith.constant 16 : i32
      %mul3A_74 = arith.muli %add3A, %mul3A_73 : i32
      %jit3A = arith.constant 25 : i32
      %div3A = arith.divsi %add3A_53, %jit3A : i32
      %sign3A = arith.constant 0 : i32
      %sign3A_75 = arith.cmpi sgt, %add3A_53, %sign3A : i32
      %sign3A_76 = arith.extui %sign3A_75 : i1 to i32
      %sign3A_77 = arith.constant 0 : i32
      %sign3A_78 = arith.cmpi slt, %add3A_53, %sign3A_77 : i32
      %sign3A_79 = arith.extui %sign3A_78 : i1 to i32
      %sign3A_80 = arith.subi %sign3A_76, %sign3A_79 : i32
      %sign3A_81 = arith.constant 0 : i32
      %sign3A_82 = arith.cmpi sgt, %jit3A, %sign3A_81 : i32
      %sign3A_83 = arith.extui %sign3A_82 : i1 to i32
      %sign3A_84 = arith.constant 0 : i32
      %sign3A_85 = arith.cmpi slt, %jit3A, %sign3A_84 : i32
      %sign3A_86 = arith.extui %sign3A_85 : i1 to i32
      %sign3A_87 = arith.subi %sign3A_83, %sign3A_86 : i32
      %ne3A = arith.cmpi ne, %sign3A_80, %sign3A_87 : i32
      %rem3A = arith.remsi %add3A_53, %jit3A : i32
      %ne3A_88 = arith.constant 0 : i32
      %ne3A_89 = arith.cmpi ne, %rem3A, %ne3A_88 : i32
      %and3A = arith.andi %ne3A, %ne3A_89 : i1
      %sub3A = arith.constant 1 : i32
      %sub3A_90 = arith.subi %div3A, %sub3A : i32
      %select_n3A = arith.select %and3A, %sub3A_90, %div3A : i32
      %add3A_91 = arith.addi %mul3A_74, %select_n3A : i32
      %jit3A_92 = arith.constant 25 : i32
      %eq3A = arith.constant 0 : i32
      %eq3A_93 = arith.cmpi eq, %jit3A_92, %eq3A : i32
      %jit3A_94 = arith.constant 1 : i32
      %select_n3A_95 = arith.select %eq3A_93, %jit3A_94, %jit3A_92 : i32
      %rem3A_96 = arith.remsi %add3A_53, %select_n3A_95 : i32
      %ne3A_97 = arith.constant 0 : i32
      %ne3A_98 = arith.cmpi ne, %rem3A_96, %ne3A_97 : i32
      %lt3A_99 = arith.constant 0 : i32
      %lt3A_100 = arith.cmpi slt, %rem3A_96, %lt3A_99 : i32
      %lt3A_101 = arith.constant 0 : i32
      %lt3A_102 = arith.cmpi slt, %select_n3A_95, %lt3A_101 : i32
      %ne3A_103 = arith.xori %lt3A_100, %lt3A_102 : i1
      %and3A_104 = arith.andi %ne3A_103, %ne3A_98 : i1
      %add3A_105 = arith.addi %rem3A_96, %select_n3A_95 : i32
      %select_n3A_106 = arith.select %and3A_104, %add3A_105, %rem3A_96 : i32
      %mul3A_107 = arith.constant 4 : i32
      %mul3A_108 = arith.muli %select_n3A_106, %mul3A_107 : i32
      %dma_start3A_109 = arith.constant 0 : i32
      %dma_start3A_110 = arith.constant 0 : i32
      %dma_start3A_111 = tpu.memref_slice %arg4[%add3A_91, %mul3A_108, %dma_start3A_109, %dma_start3A_110] : memref<512x100x8x128xf32, #tpu.memory_space<hbm>> -> memref<1x4x8x128xf32, #tpu.memory_space<hbm>>
      %dma_start3A_112 = tpu.memref_squeeze %dma_start3A_111 : memref<1x4x8x128xf32, #tpu.memory_space<hbm>> -> memref<4x8x128xf32, #tpu.memory_space<hbm>>
      %dma_start3A_113 = arith.constant 0 : i32
      %dma_start3A_114 = arith.constant 0 : i32
      %dma_start3A_115 = tpu.memref_slice %arg4[%add3A_91, %mul3A_108, %dma_start3A_113, %dma_start3A_114] : memref<512x100x8x128xf32, #tpu.memory_space<hbm>> -> memref<1x4x8x128xf32, #tpu.memory_space<hbm>>
      %dma_start3A_116 = tpu.memref_squeeze %dma_start3A_115 : memref<1x4x8x128xf32, #tpu.memory_space<hbm>> -> memref<4x8x128xf32, #tpu.memory_space<hbm>>
      tpu.enqueue_dma source(%arg10 : memref<4x8x128xf32, #tpu.memory_space<vmem>>) target(%dma_start3A_116 : memref<4x8x128xf32, #tpu.memory_space<hbm>>) target_semaphore(%arg18 : memref<!tpu.dma_semaphore, #tpu.memory_space<semaphore_mem>>)
      %add3A_117 = arith.constant 1 : i32
      %add3A_118 = arith.addi %mul3A_51, %add3A_117 : i32
      %ge3A_119 = arith.constant 2 : i32
      %ge3A_120 = arith.cmpi sge, %add3A_118, %ge3A_119 : i32
      %convert_element_type3A_121 = arith.extui %ge3A_120 : i1 to i32
      %cond3A_122 = arith.constant 0 : i32
      %cond3A_123 = arith.cmpi ne, %convert_element_type3A_121, %cond3A_122 : i32
      scf.if %cond3A_123 {
        %sub3A_351 = arith.constant 2 : i32
        %sub3A_352 = arith.subi %add3A_118, %sub3A_351 : i32
        %mul3A_353 = arith.constant 16 : i32
        %mul3A_354 = arith.muli %add3A, %mul3A_353 : i32
        %jit3A_355 = arith.constant 25 : i32
        %div3A_356 = arith.divsi %sub3A_352, %jit3A_355 : i32
        %sign3A_357 = arith.constant 0 : i32
        %sign3A_358 = arith.cmpi sgt, %sub3A_352, %sign3A_357 : i32
        %sign3A_359 = arith.extui %sign3A_358 : i1 to i32
        %sign3A_360 = arith.constant 0 : i32
        %sign3A_361 = arith.cmpi slt, %sub3A_352, %sign3A_360 : i32
        %sign3A_362 = arith.extui %sign3A_361 : i1 to i32
        %sign3A_363 = arith.subi %sign3A_359, %sign3A_362 : i32
        %sign3A_364 = arith.constant 0 : i32
        %sign3A_365 = arith.cmpi sgt, %jit3A_355, %sign3A_364 : i32
        %sign3A_366 = arith.extui %sign3A_365 : i1 to i32
        %sign3A_367 = arith.constant 0 : i32
        %sign3A_368 = arith.cmpi slt, %jit3A_355, %sign3A_367 : i32
        %sign3A_369 = arith.extui %sign3A_368 : i1 to i32
        %sign3A_370 = arith.subi %sign3A_366, %sign3A_369 : i32
        %ne3A_371 = arith.cmpi ne, %sign3A_363, %sign3A_370 : i32
        %rem3A_372 = arith.remsi %sub3A_352, %jit3A_355 : i32
        %ne3A_373 = arith.constant 0 : i32
        %ne3A_374 = arith.cmpi ne, %rem3A_372, %ne3A_373 : i32
        %and3A_375 = arith.andi %ne3A_371, %ne3A_374 : i1
        %sub3A_376 = arith.constant 1 : i32
        %sub3A_377 = arith.subi %div3A_356, %sub3A_376 : i32
        %select_n3A_378 = arith.select %and3A_375, %sub3A_377, %div3A_356 : i32
        %add3A_379 = arith.addi %mul3A_354, %select_n3A_378 : i32
        %jit3A_380 = arith.constant 25 : i32
        %eq3A_381 = arith.constant 0 : i32
        %eq3A_382 = arith.cmpi eq, %jit3A_380, %eq3A_381 : i32
        %jit3A_383 = arith.constant 1 : i32
        %select_n3A_384 = arith.select %eq3A_382, %jit3A_383, %jit3A_380 : i32
        %rem3A_385 = arith.remsi %sub3A_352, %select_n3A_384 : i32
        %ne3A_386 = arith.constant 0 : i32
        %ne3A_387 = arith.cmpi ne, %rem3A_385, %ne3A_386 : i32
        %lt3A_388 = arith.constant 0 : i32
        %lt3A_389 = arith.cmpi slt, %rem3A_385, %lt3A_388 : i32
        %lt3A_390 = arith.constant 0 : i32
        %lt3A_391 = arith.cmpi slt, %select_n3A_384, %lt3A_390 : i32
        %ne3A_392 = arith.xori %lt3A_389, %lt3A_391 : i1
        %and3A_393 = arith.andi %ne3A_392, %ne3A_387 : i1
        %add3A_394 = arith.addi %rem3A_385, %select_n3A_384 : i32
        %select_n3A_395 = arith.select %and3A_393, %add3A_394, %rem3A_385 : i32
        %mul3A_396 = arith.constant 4 : i32
        %mul3A_397 = arith.muli %select_n3A_395, %mul3A_396 : i32
        %dma_wait3A_398 = arith.constant 0 : i32
        %dma_wait3A_399 = arith.constant 0 : i32
        %dma_wait3A_400 = tpu.memref_slice %arg4[%add3A_379, %mul3A_397, %dma_wait3A_398, %dma_wait3A_399] : memref<512x100x8x128xf32, #tpu.memory_space<hbm>> -> memref<1x4x8x128xf32, #tpu.memory_space<hbm>>
        %dma_wait3A_401 = tpu.memref_squeeze %dma_wait3A_400 : memref<1x4x8x128xf32, #tpu.memory_space<hbm>> -> memref<4x8x128xf32, #tpu.memory_space<hbm>>
        %dma_wait3A_402 = arith.constant 0 : i32
        %dma_wait3A_403 = arith.constant 0 : i32
        %dma_wait3A_404 = tpu.memref_slice %arg4[%add3A_379, %mul3A_397, %dma_wait3A_402, %dma_wait3A_403] : memref<512x100x8x128xf32, #tpu.memory_space<hbm>> -> memref<1x4x8x128xf32, #tpu.memory_space<hbm>>
        %dma_wait3A_405 = tpu.memref_squeeze %dma_wait3A_404 : memref<1x4x8x128xf32, #tpu.memory_space<hbm>> -> memref<4x8x128xf32, #tpu.memory_space<hbm>>
        tpu.wait_dma2 semaphore(%arg21 : memref<!tpu.dma_semaphore, #tpu.memory_space<semaphore_mem>>) src(%arg13 : memref<4x8x128xf32, #tpu.memory_space<vmem>>) dst(%dma_wait3A_405 : memref<4x8x128xf32, #tpu.memory_space<hbm>>)
      } else {
      }
      %add3A_124 = arith.constant 2 : i32
      %add3A_125 = arith.addi %add3A_118, %add3A_124 : i32
      %lt3A_126 = arith.constant 400 : i32
      %lt3A_127 = arith.cmpi slt, %add3A_125, %lt3A_126 : i32
      %convert_element_type3A_128 = arith.extui %lt3A_127 : i1 to i32
      %cond3A_129 = arith.constant 0 : i32
      %cond3A_130 = arith.cmpi ne, %convert_element_type3A_128, %cond3A_129 : i32
      scf.if %cond3A_130 {
        %add3A_351 = arith.constant 2 : i32
        %add3A_352 = arith.addi %add3A_118, %add3A_351 : i32
        %dma_start3A_353 = arith.constant 0 : i32
        %dma_start3A_354 = tpu.memref_slice %arg5[%add3A_352, %dma_start3A_353] : memref<400x64xi32, #tpu.memory_space<vmem>> -> memref<1x64xi32, #tpu.memory_space<vmem>>
        %dma_start3A_355 = tpu.memref_squeeze %dma_start3A_354 : memref<1x64xi32, #tpu.memory_space<vmem>> -> memref<64xi32, #tpu.memory_space<vmem>>
        %dma_start3A_356 = arith.constant 0 : i32
        %dma_start3A_357 = arith.constant 0 : i32
        %dma_start3A_358 = tpu.memref_slice %arg3[%dma_start3A_356, %dma_start3A_357] : memref<1000000x64xf32, #tpu.memory_space<hbm>> -> memref<1000000x64xf32, #tpu.memory_space<hbm>>
        tpu.enqueue_indirect_dma source(%dma_start3A_358 : memref<1000000x64xf32, #tpu.memory_space<hbm>>) target(%arg9 : memref<64x64xf32, #tpu.memory_space<vmem>>) offsets(%dma_start3A_355 : memref<64xi32, #tpu.memory_space<vmem>>) semaphore(%arg17 : memref<!tpu.dma_semaphore, #tpu.memory_space<semaphore_mem>>)
      } else {
      }
      %dma_wait3A_131 = arith.constant 0 : i32
      %dma_wait3A_132 = tpu.memref_slice %arg5[%add3A_118, %dma_wait3A_131] : memref<400x64xi32, #tpu.memory_space<vmem>> -> memref<1x64xi32, #tpu.memory_space<vmem>>
      %dma_wait3A_133 = tpu.memref_squeeze %dma_wait3A_132 : memref<1x64xi32, #tpu.memory_space<vmem>> -> memref<64xi32, #tpu.memory_space<vmem>>
      %dma_wait3A_134 = arith.constant 0 : i32
      %dma_wait3A_135 = arith.constant 0 : i32
      %dma_wait3A_136 = tpu.memref_slice %arg3[%dma_wait3A_134, %dma_wait3A_135] : memref<1000000x64xf32, #tpu.memory_space<hbm>> -> memref<1000000x64xf32, #tpu.memory_space<hbm>>
      tpu.wait_indirect_dma semaphore(%arg15 : memref<!tpu.dma_semaphore, #tpu.memory_space<semaphore_mem>>) src(%dma_wait3A_136 : memref<1000000x64xf32, #tpu.memory_space<hbm>>) dst(%arg7 : memref<64x64xf32, #tpu.memory_space<vmem>>)
      %scan3A_137 = arith.constant 0 : i32
      %scan3A_138 = arith.constant 64 : i32
      %scan3A_139 = arith.addi %scan3A_137, %scan3A_138 : i32
      %scan3A_140 = arith.constant 1 : i32
      scf.for %scan3A_351 = %scan3A_137 to %scan3A_139 step %scan3A_140  : i32 {
        %mul3A_352 = arith.constant 1 : i32
        %mul3A_353 = arith.muli %scan3A_351, %mul3A_352 : i32
        %add3A_354 = arith.constant 0 : i32
        %add3A_355 = arith.addi %add3A_354, %mul3A_353 : i32
        %shift_right_arithmetic3A = arith.constant 3 : i32
        %shift_right_arithmetic3A_356 = arith.shrsi %add3A_355, %shift_right_arithmetic3A : i32
        %and3A_357 = arith.constant 7 : i32
        %and3A_358 = arith.andi %add3A_355, %and3A_357 : i32
        %shift_right_arithmetic3A_359 = arith.constant 1 : i32
        %shift_right_arithmetic3A_360 = arith.shrsi %and3A_358, %shift_right_arithmetic3A_359 : i32
        %and3A_361 = arith.constant 1 : i32
        %and3A_362 = arith.andi %and3A_358, %and3A_361 : i32
        %mul3A_363 = arith.constant 64 : i32
        %mul3A_364 = arith.muli %and3A_362, %mul3A_363 : i32
        %get3A = arith.index_cast %add3A_355 : i32 to index
        %get3A_365 = arith.constant 0 : index
        %get3A_366 = tpu.vector_load %arg7[%get3A, %get3A_365] {strides = array<i32>} : memref<64x64xf32, #tpu.memory_space<vmem>>, vector<1x16xf32>,
        %get3A_367 = vector.shape_cast %get3A_366 : vector<1x16xf32> to vector<16xf32>
        %mul3A_368 = arith.constant 8.000000e+00 : f32
        %mul3A_369 = vector.broadcast %mul3A_368 : f32 to vector<16xf32>
        %mul3A_370 = arith.mulf %get3A_367, %mul3A_369 : vector<16xf32>
        %add3A_371 = arith.constant 0 : i32
        %add3A_372 = arith.addi %mul3A_364, %add3A_371 : i32
        %swap3A = arith.index_cast %shift_right_arithmetic3A_360 : i32 to index
        %swap3A_373 = arith.index_cast %shift_right_arithmetic3A_356 : i32 to index
        %swap3A_374 = arith.index_cast %add3A_372 : i32 to index
        %swap3A_375 = tpu.vector_load %arg11[%swap3A, %swap3A_373, %swap3A_374] {strides = array<i32>} : memref<4x8x128xf32, #tpu.memory_space<vmem>>, vector<1x1x16xf32>,
        %swap3A_376 = vector.shape_cast %swap3A_375 : vector<1x1x16xf32> to vector<16xf32>
        %swap3A_377 = vector.shape_cast %mul3A_370 : vector<16xf32> to vector<1x1x16xf32>
        tpu.vector_store %arg11[%swap3A, %swap3A_373, %swap3A_374], %swap3A_377 {strides = array<i32>} : memref<4x8x128xf32, #tpu.memory_space<vmem>>, vector<1x1x16xf32>,
        %get3A_378 = arith.index_cast %add3A_355 : i32 to index
        %get3A_379 = arith.constant 16 : index
        %get3A_380 = tpu.vector_load %arg7[%get3A_378, %get3A_379] {strides = array<i32>} : memref<64x64xf32, #tpu.memory_space<vmem>>, vector<1x16xf32>,
        %get3A_381 = vector.shape_cast %get3A_380 : vector<1x16xf32> to vector<16xf32>
        %mul3A_382 = arith.constant 8.000000e+00 : f32
        %mul3A_383 = vector.broadcast %mul3A_382 : f32 to vector<16xf32>
        %mul3A_384 = arith.mulf %get3A_381, %mul3A_383 : vector<16xf32>
        %add3A_385 = arith.constant 16 : i32
        %add3A_386 = arith.addi %mul3A_364, %add3A_385 : i32
        %swap3A_387 = arith.index_cast %shift_right_arithmetic3A_360 : i32 to index
        %swap3A_388 = arith.index_cast %shift_right_arithmetic3A_356 : i32 to index
        %swap3A_389 = arith.index_cast %add3A_386 : i32 to index
        %swap3A_390 = tpu.vector_load %arg11[%swap3A_387, %swap3A_388, %swap3A_389] {strides = array<i32>} : memref<4x8x128xf32, #tpu.memory_space<vmem>>, vector<1x1x16xf32>,
        %swap3A_391 = vector.shape_cast %swap3A_390 : vector<1x1x16xf32> to vector<16xf32>
        %swap3A_392 = vector.shape_cast %mul3A_384 : vector<16xf32> to vector<1x1x16xf32>
        tpu.vector_store %arg11[%swap3A_387, %swap3A_388, %swap3A_389], %swap3A_392 {strides = array<i32>} : memref<4x8x128xf32, #tpu.memory_space<vmem>>, vector<1x1x16xf32>,
        %get3A_393 = arith.index_cast %add3A_355 : i32 to index
        %get3A_394 = arith.constant 32 : index
        %get3A_395 = tpu.vector_load %arg7[%get3A_393, %get3A_394] {strides = array<i32>} : memref<64x64xf32, #tpu.memory_space<vmem>>, vector<1x16xf32>,
        %get3A_396 = vector.shape_cast %get3A_395 : vector<1x16xf32> to vector<16xf32>
        %mul3A_397 = arith.constant 8.000000e+00 : f32
        %mul3A_398 = vector.broadcast %mul3A_397 : f32 to vector<16xf32>
        %mul3A_399 = arith.mulf %get3A_396, %mul3A_398 : vector<16xf32>
        %add3A_400 = arith.constant 32 : i32
        %add3A_401 = arith.addi %mul3A_364, %add3A_400 : i32
        %swap3A_402 = arith.index_cast %shift_right_arithmetic3A_360 : i32 to index
        %swap3A_403 = arith.index_cast %shift_right_arithmetic3A_356 : i32 to index
        %swap3A_404 = arith.index_cast %add3A_401 : i32 to index
        %swap3A_405 = tpu.vector_load %arg11[%swap3A_402, %swap3A_403, %swap3A_404] {strides = array<i32>} : memref<4x8x128xf32, #tpu.memory_space<vmem>>, vector<1x1x16xf32>,
        %swap3A_406 = vector.shape_cast %swap3A_405 : vector<1x1x16xf32> to vector<16xf32>
        %swap3A_407 = vector.shape_cast %mul3A_399 : vector<16xf32> to vector<1x1x16xf32>
        tpu.vector_store %arg11[%swap3A_402, %swap3A_403, %swap3A_404], %swap3A_407 {strides = array<i32>} : memref<4x8x128xf32, #tpu.memory_space<vmem>>, vector<1x1x16xf32>,
        %get3A_408 = arith.index_cast %add3A_355 : i32 to index
        %get3A_409 = arith.constant 48 : index
        %get3A_410 = tpu.vector_load %arg7[%get3A_408, %get3A_409] {strides = array<i32>} : memref<64x64xf32, #tpu.memory_space<vmem>>, vector<1x16xf32>,
        %get3A_411 = vector.shape_cast %get3A_410 : vector<1x16xf32> to vector<16xf32>
        %mul3A_412 = arith.constant 8.000000e+00 : f32
        %mul3A_413 = vector.broadcast %mul3A_412 : f32 to vector<16xf32>
        %mul3A_414 = arith.mulf %get3A_411, %mul3A_413 : vector<16xf32>
        %add3A_415 = arith.constant 48 : i32
        %add3A_416 = arith.addi %mul3A_364, %add3A_415 : i32
        %swap3A_417 = arith.index_cast %shift_right_arithmetic3A_360 : i32 to index
        %swap3A_418 = arith.index_cast %shift_right_arithmetic3A_356 : i32 to index
        %swap3A_419 = arith.index_cast %add3A_416 : i32 to index
        %swap3A_420 = tpu.vector_load %arg11[%swap3A_417, %swap3A_418, %swap3A_419] {strides = array<i32>} : memref<4x8x128xf32, #tpu.memory_space<vmem>>, vector<1x1x16xf32>,
        %swap3A_421 = vector.shape_cast %swap3A_420 : vector<1x1x16xf32> to vector<16xf32>
        %swap3A_422 = vector.shape_cast %mul3A_414 : vector<16xf32> to vector<1x1x16xf32>
        tpu.vector_store %arg11[%swap3A_417, %swap3A_418, %swap3A_419], %swap3A_422 {strides = array<i32>} : memref<4x8x128xf32, #tpu.memory_space<vmem>>, vector<1x1x16xf32>,
      }
      %scan3A_141 = arith.constant 64 : i32
      %mul3A_142 = arith.constant 16 : i32
      %mul3A_143 = arith.muli %add3A, %mul3A_142 : i32
      %jit3A_144 = arith.constant 25 : i32
      %div3A_145 = arith.divsi %add3A_118, %jit3A_144 : i32
      %sign3A_146 = arith.constant 0 : i32
      %sign3A_147 = arith.cmpi sgt, %add3A_118, %sign3A_146 : i32
      %sign3A_148 = arith.extui %sign3A_147 : i1 to i32
      %sign3A_149 = arith.constant 0 : i32
      %sign3A_150 = arith.cmpi slt, %add3A_118, %sign3A_149 : i32
      %sign3A_151 = arith.extui %sign3A_150 : i1 to i32
      %sign3A_152 = arith.subi %sign3A_148, %sign3A_151 : i32
      %sign3A_153 = arith.constant 0 : i32
      %sign3A_154 = arith.cmpi sgt, %jit3A_144, %sign3A_153 : i32
      %sign3A_155 = arith.extui %sign3A_154 : i1 to i32
      %sign3A_156 = arith.constant 0 : i32
      %sign3A_157 = arith.cmpi slt, %jit3A_144, %sign3A_156 : i32
      %sign3A_158 = arith.extui %sign3A_157 : i1 to i32
      %sign3A_159 = arith.subi %sign3A_155, %sign3A_158 : i32
      %ne3A_160 = arith.cmpi ne, %sign3A_152, %sign3A_159 : i32
      %rem3A_161 = arith.remsi %add3A_118, %jit3A_144 : i32
      %ne3A_162 = arith.constant 0 : i32
      %ne3A_163 = arith.cmpi ne, %rem3A_161, %ne3A_162 : i32
      %and3A_164 = arith.andi %ne3A_160, %ne3A_163 : i1
      %sub3A_165 = arith.constant 1 : i32
      %sub3A_166 = arith.subi %div3A_145, %sub3A_165 : i32
      %select_n3A_167 = arith.select %and3A_164, %sub3A_166, %div3A_145 : i32
      %add3A_168 = arith.addi %mul3A_143, %select_n3A_167 : i32
      %jit3A_169 = arith.constant 25 : i32
      %eq3A_170 = arith.constant 0 : i32
      %eq3A_171 = arith.cmpi eq, %jit3A_169, %eq3A_170 : i32
      %jit3A_172 = arith.constant 1 : i32
      %select_n3A_173 = arith.select %eq3A_171, %jit3A_172, %jit3A_169 : i32
      %rem3A_174 = arith.remsi %add3A_118, %select_n3A_173 : i32
      %ne3A_175 = arith.constant 0 : i32
      %ne3A_176 = arith.cmpi ne, %rem3A_174, %ne3A_175 : i32
      %lt3A_177 = arith.constant 0 : i32
      %lt3A_178 = arith.cmpi slt, %rem3A_174, %lt3A_177 : i32
      %lt3A_179 = arith.constant 0 : i32
      %lt3A_180 = arith.cmpi slt, %select_n3A_173, %lt3A_179 : i32
      %ne3A_181 = arith.xori %lt3A_178, %lt3A_180 : i1
      %and3A_182 = arith.andi %ne3A_181, %ne3A_176 : i1
      %add3A_183 = arith.addi %rem3A_174, %select_n3A_173 : i32
      %select_n3A_184 = arith.select %and3A_182, %add3A_183, %rem3A_174 : i32
      %mul3A_185 = arith.constant 4 : i32
      %mul3A_186 = arith.muli %select_n3A_184, %mul3A_185 : i32
      %dma_start3A_187 = arith.constant 0 : i32
      %dma_start3A_188 = arith.constant 0 : i32
      %dma_start3A_189 = tpu.memref_slice %arg4[%add3A_168, %mul3A_186, %dma_start3A_187, %dma_start3A_188] : memref<512x100x8x128xf32, #tpu.memory_space<hbm>> -> memref<1x4x8x128xf32, #tpu.memory_space<hbm>>
      %dma_start3A_190 = tpu.memref_squeeze %dma_start3A_189 : memref<1x4x8x128xf32, #tpu.memory_space<hbm>> -> memref<4x8x128xf32, #tpu.memory_space<hbm>>
      %dma_start3A_191 = arith.constant 0 : i32
      %dma_start3A_192 = arith.constant 0 : i32
      %dma_start3A_193 = tpu.memref_slice %arg4[%add3A_168, %mul3A_186, %dma_start3A_191, %dma_start3A_192] : memref<512x100x8x128xf32, #tpu.memory_space<hbm>> -> memref<1x4x8x128xf32, #tpu.memory_space<hbm>>
      %dma_start3A_194 = tpu.memref_squeeze %dma_start3A_193 : memref<1x4x8x128xf32, #tpu.memory_space<hbm>> -> memref<4x8x128xf32, #tpu.memory_space<hbm>>
      tpu.enqueue_dma source(%arg11 : memref<4x8x128xf32, #tpu.memory_space<vmem>>) target(%dma_start3A_194 : memref<4x8x128xf32, #tpu.memory_space<hbm>>) target_semaphore(%arg19 : memref<!tpu.dma_semaphore, #tpu.memory_space<semaphore_mem>>)
      %add3A_195 = arith.constant 2 : i32
      %add3A_196 = arith.addi %mul3A_51, %add3A_195 : i32
      %ge3A_197 = arith.constant 2 : i32
      %ge3A_198 = arith.cmpi sge, %add3A_196, %ge3A_197 : i32
      %convert_element_type3A_199 = arith.extui %ge3A_198 : i1 to i32
      %cond3A_200 = arith.constant 0 : i32
      %cond3A_201 = arith.cmpi ne, %convert_element_type3A_199, %cond3A_200 : i32
      scf.if %cond3A_201 {
        %sub3A_351 = arith.constant 2 : i32
        %sub3A_352 = arith.subi %add3A_196, %sub3A_351 : i32
        %mul3A_353 = arith.constant 16 : i32
        %mul3A_354 = arith.muli %add3A, %mul3A_353 : i32
        %jit3A_355 = arith.constant 25 : i32
        %div3A_356 = arith.divsi %sub3A_352, %jit3A_355 : i32
        %sign3A_357 = arith.constant 0 : i32
        %sign3A_358 = arith.cmpi sgt, %sub3A_352, %sign3A_357 : i32
        %sign3A_359 = arith.extui %sign3A_358 : i1 to i32
        %sign3A_360 = arith.constant 0 : i32
        %sign3A_361 = arith.cmpi slt, %sub3A_352, %sign3A_360 : i32
        %sign3A_362 = arith.extui %sign3A_361 : i1 to i32
        %sign3A_363 = arith.subi %sign3A_359, %sign3A_362 : i32
        %sign3A_364 = arith.constant 0 : i32
        %sign3A_365 = arith.cmpi sgt, %jit3A_355, %sign3A_364 : i32
        %sign3A_366 = arith.extui %sign3A_365 : i1 to i32
        %sign3A_367 = arith.constant 0 : i32
        %sign3A_368 = arith.cmpi slt, %jit3A_355, %sign3A_367 : i32
        %sign3A_369 = arith.extui %sign3A_368 : i1 to i32
        %sign3A_370 = arith.subi %sign3A_366, %sign3A_369 : i32
        %ne3A_371 = arith.cmpi ne, %sign3A_363, %sign3A_370 : i32
        %rem3A_372 = arith.remsi %sub3A_352, %jit3A_355 : i32
        %ne3A_373 = arith.constant 0 : i32
        %ne3A_374 = arith.cmpi ne, %rem3A_372, %ne3A_373 : i32
        %and3A_375 = arith.andi %ne3A_371, %ne3A_374 : i1
        %sub3A_376 = arith.constant 1 : i32
        %sub3A_377 = arith.subi %div3A_356, %sub3A_376 : i32
        %select_n3A_378 = arith.select %and3A_375, %sub3A_377, %div3A_356 : i32
        %add3A_379 = arith.addi %mul3A_354, %select_n3A_378 : i32
        %jit3A_380 = arith.constant 25 : i32
        %eq3A_381 = arith.constant 0 : i32
        %eq3A_382 = arith.cmpi eq, %jit3A_380, %eq3A_381 : i32
        %jit3A_383 = arith.constant 1 : i32
        %select_n3A_384 = arith.select %eq3A_382, %jit3A_383, %jit3A_380 : i32
        %rem3A_385 = arith.remsi %sub3A_352, %select_n3A_384 : i32
        %ne3A_386 = arith.constant 0 : i32
        %ne3A_387 = arith.cmpi ne, %rem3A_385, %ne3A_386 : i32
        %lt3A_388 = arith.constant 0 : i32
        %lt3A_389 = arith.cmpi slt, %rem3A_385, %lt3A_388 : i32
        %lt3A_390 = arith.constant 0 : i32
        %lt3A_391 = arith.cmpi slt, %select_n3A_384, %lt3A_390 : i32
        %ne3A_392 = arith.xori %lt3A_389, %lt3A_391 : i1
        %and3A_393 = arith.andi %ne3A_392, %ne3A_387 : i1
        %add3A_394 = arith.addi %rem3A_385, %select_n3A_384 : i32
        %select_n3A_395 = arith.select %and3A_393, %add3A_394, %rem3A_385 : i32
        %mul3A_396 = arith.constant 4 : i32
        %mul3A_397 = arith.muli %select_n3A_395, %mul3A_396 : i32
        %dma_wait3A_398 = arith.constant 0 : i32
        %dma_wait3A_399 = arith.constant 0 : i32
        %dma_wait3A_400 = tpu.memref_slice %arg4[%add3A_379, %mul3A_397, %dma_wait3A_398, %dma_wait3A_399] : memref<512x100x8x128xf32, #tpu.memory_space<hbm>> -> memref<1x4x8x128xf32, #tpu.memory_space<hbm>>
        %dma_wait3A_401 = tpu.memref_squeeze %dma_wait3A_400 : memref<1x4x8x128xf32, #tpu.memory_space<hbm>> -> memref<4x8x128xf32, #tpu.memory_space<hbm>>
        %dma_wait3A_402 = arith.constant 0 : i32
        %dma_wait3A_403 = arith.constant 0 : i32
        %dma_wait3A_404 = tpu.memref_slice %arg4[%add3A_379, %mul3A_397, %dma_wait3A_402, %dma_wait3A_403] : memref<512x100x8x128xf32, #tpu.memory_space<hbm>> -> memref<1x4x8x128xf32, #tpu.memory_space<hbm>>
        %dma_wait3A_405 = tpu.memref_squeeze %dma_wait3A_404 : memref<1x4x8x128xf32, #tpu.memory_space<hbm>> -> memref<4x8x128xf32, #tpu.memory_space<hbm>>
        tpu.wait_dma2 semaphore(%arg18 : memref<!tpu.dma_semaphore, #tpu.memory_space<semaphore_mem>>) src(%arg10 : memref<4x8x128xf32, #tpu.memory_space<vmem>>) dst(%dma_wait3A_405 : memref<4x8x128xf32, #tpu.memory_space<hbm>>)
      } else {
      }
      %add3A_202 = arith.constant 2 : i32
      %add3A_203 = arith.addi %add3A_196, %add3A_202 : i32
      %lt3A_204 = arith.constant 400 : i32
      %lt3A_205 = arith.cmpi slt, %add3A_203, %lt3A_204 : i32
      %convert_element_type3A_206 = arith.extui %lt3A_205 : i1 to i32
      %cond3A_207 = arith.constant 0 : i32
      %cond3A_208 = arith.cmpi ne, %convert_element_type3A_206, %cond3A_207 : i32
      scf.if %cond3A_208 {
        %add3A_351 = arith.constant 2 : i32
        %add3A_352 = arith.addi %add3A_196, %add3A_351 : i32
        %dma_start3A_353 = arith.constant 0 : i32
        %dma_start3A_354 = tpu.memref_slice %arg5[%add3A_352, %dma_start3A_353] : memref<400x64xi32, #tpu.memory_space<vmem>> -> memref<1x64xi32, #tpu.memory_space<vmem>>
        %dma_start3A_355 = tpu.memref_squeeze %dma_start3A_354 : memref<1x64xi32, #tpu.memory_space<vmem>> -> memref<64xi32, #tpu.memory_space<vmem>>
        %dma_start3A_356 = arith.constant 0 : i32
        %dma_start3A_357 = arith.constant 0 : i32
        %dma_start3A_358 = tpu.memref_slice %arg3[%dma_start3A_356, %dma_start3A_357] : memref<1000000x64xf32, #tpu.memory_space<hbm>> -> memref<1000000x64xf32, #tpu.memory_space<hbm>>
        tpu.enqueue_indirect_dma source(%dma_start3A_358 : memref<1000000x64xf32, #tpu.memory_space<hbm>>) target(%arg6 : memref<64x64xf32, #tpu.memory_space<vmem>>) offsets(%dma_start3A_355 : memref<64xi32, #tpu.memory_space<vmem>>) semaphore(%arg14 : memref<!tpu.dma_semaphore, #tpu.memory_space<semaphore_mem>>)
      } else {
      }
      %dma_wait3A_209 = arith.constant 0 : i32
      %dma_wait3A_210 = tpu.memref_slice %arg5[%add3A_196, %dma_wait3A_209] : memref<400x64xi32, #tpu.memory_space<vmem>> -> memref<1x64xi32, #tpu.memory_space<vmem>>
      %dma_wait3A_211 = tpu.memref_squeeze %dma_wait3A_210 : memref<1x64xi32, #tpu.memory_space<vmem>> -> memref<64xi32, #tpu.memory_space<vmem>>
      %dma_wait3A_212 = arith.constant 0 : i32
      %dma_wait3A_213 = arith.constant 0 : i32
      %dma_wait3A_214 = tpu.memref_slice %arg3[%dma_wait3A_212, %dma_wait3A_213] : memref<1000000x64xf32, #tpu.memory_space<hbm>> -> memref<1000000x64xf32, #tpu.memory_space<hbm>>
      tpu.wait_indirect_dma semaphore(%arg16 : memref<!tpu.dma_semaphore, #tpu.memory_space<semaphore_mem>>) src(%dma_wait3A_214 : memref<1000000x64xf32, #tpu.memory_space<hbm>>) dst(%arg8 : memref<64x64xf32, #tpu.memory_space<vmem>>)
      %scan3A_215 = arith.constant 0 : i32
      %scan3A_216 = arith.constant 64 : i32
      %scan3A_217 = arith.addi %scan3A_215, %scan3A_216 : i32
      %scan3A_218 = arith.constant 1 : i32
      scf.for %scan3A_351 = %scan3A_215 to %scan3A_217 step %scan3A_218  : i32 {
        %mul3A_352 = arith.constant 1 : i32
        %mul3A_353 = arith.muli %scan3A_351, %mul3A_352 : i32
        %add3A_354 = arith.constant 0 : i32
        %add3A_355 = arith.addi %add3A_354, %mul3A_353 : i32
        %shift_right_arithmetic3A = arith.constant 3 : i32
        %shift_right_arithmetic3A_356 = arith.shrsi %add3A_355, %shift_right_arithmetic3A : i32
        %and3A_357 = arith.constant 7 : i32
        %and3A_358 = arith.andi %add3A_355, %and3A_357 : i32
        %shift_right_arithmetic3A_359 = arith.constant 1 : i32
        %shift_right_arithmetic3A_360 = arith.shrsi %and3A_358, %shift_right_arithmetic3A_359 : i32
        %and3A_361 = arith.constant 1 : i32
        %and3A_362 = arith.andi %and3A_358, %and3A_361 : i32
        %mul3A_363 = arith.constant 64 : i32
        %mul3A_364 = arith.muli %and3A_362, %mul3A_363 : i32
        %get3A = arith.index_cast %add3A_355 : i32 to index
        %get3A_365 = arith.constant 0 : index
        %get3A_366 = tpu.vector_load %arg8[%get3A, %get3A_365] {strides = array<i32>} : memref<64x64xf32, #tpu.memory_space<vmem>>, vector<1x16xf32>,
        %get3A_367 = vector.shape_cast %get3A_366 : vector<1x16xf32> to vector<16xf32>
        %mul3A_368 = arith.constant 8.000000e+00 : f32
        %mul3A_369 = vector.broadcast %mul3A_368 : f32 to vector<16xf32>
        %mul3A_370 = arith.mulf %get3A_367, %mul3A_369 : vector<16xf32>
        %add3A_371 = arith.constant 0 : i32
        %add3A_372 = arith.addi %mul3A_364, %add3A_371 : i32
        %swap3A = arith.index_cast %shift_right_arithmetic3A_360 : i32 to index
        %swap3A_373 = arith.index_cast %shift_right_arithmetic3A_356 : i32 to index
        %swap3A_374 = arith.index_cast %add3A_372 : i32 to index
        %swap3A_375 = tpu.vector_load %arg12[%swap3A, %swap3A_373, %swap3A_374] {strides = array<i32>} : memref<4x8x128xf32, #tpu.memory_space<vmem>>, vector<1x1x16xf32>,
        %swap3A_376 = vector.shape_cast %swap3A_375 : vector<1x1x16xf32> to vector<16xf32>
        %swap3A_377 = vector.shape_cast %mul3A_370 : vector<16xf32> to vector<1x1x16xf32>
        tpu.vector_store %arg12[%swap3A, %swap3A_373, %swap3A_374], %swap3A_377 {strides = array<i32>} : memref<4x8x128xf32, #tpu.memory_space<vmem>>, vector<1x1x16xf32>,
        %get3A_378 = arith.index_cast %add3A_355 : i32 to index
        %get3A_379 = arith.constant 16 : index
        %get3A_380 = tpu.vector_load %arg8[%get3A_378, %get3A_379] {strides = array<i32>} : memref<64x64xf32, #tpu.memory_space<vmem>>, vector<1x16xf32>,
        %get3A_381 = vector.shape_cast %get3A_380 : vector<1x16xf32> to vector<16xf32>
        %mul3A_382 = arith.constant 8.000000e+00 : f32
        %mul3A_383 = vector.broadcast %mul3A_382 : f32 to vector<16xf32>
        %mul3A_384 = arith.mulf %get3A_381, %mul3A_383 : vector<16xf32>
        %add3A_385 = arith.constant 16 : i32
        %add3A_386 = arith.addi %mul3A_364, %add3A_385 : i32
        %swap3A_387 = arith.index_cast %shift_right_arithmetic3A_360 : i32 to index
        %swap3A_388 = arith.index_cast %shift_right_arithmetic3A_356 : i32 to index
        %swap3A_389 = arith.index_cast %add3A_386 : i32 to index
        %swap3A_390 = tpu.vector_load %arg12[%swap3A_387, %swap3A_388, %swap3A_389] {strides = array<i32>} : memref<4x8x128xf32, #tpu.memory_space<vmem>>, vector<1x1x16xf32>,
        %swap3A_391 = vector.shape_cast %swap3A_390 : vector<1x1x16xf32> to vector<16xf32>
        %swap3A_392 = vector.shape_cast %mul3A_384 : vector<16xf32> to vector<1x1x16xf32>
        tpu.vector_store %arg12[%swap3A_387, %swap3A_388, %swap3A_389], %swap3A_392 {strides = array<i32>} : memref<4x8x128xf32, #tpu.memory_space<vmem>>, vector<1x1x16xf32>,
        %get3A_393 = arith.index_cast %add3A_355 : i32 to index
        %get3A_394 = arith.constant 32 : index
        %get3A_395 = tpu.vector_load %arg8[%get3A_393, %get3A_394] {strides = array<i32>} : memref<64x64xf32, #tpu.memory_space<vmem>>, vector<1x16xf32>,
        %get3A_396 = vector.shape_cast %get3A_395 : vector<1x16xf32> to vector<16xf32>
        %mul3A_397 = arith.constant 8.000000e+00 : f32
        %mul3A_398 = vector.broadcast %mul3A_397 : f32 to vector<16xf32>
        %mul3A_399 = arith.mulf %get3A_396, %mul3A_398 : vector<16xf32>
        %add3A_400 = arith.constant 32 : i32
        %add3A_401 = arith.addi %mul3A_364, %add3A_400 : i32
        %swap3A_402 = arith.index_cast %shift_right_arithmetic3A_360 : i32 to index
        %swap3A_403 = arith.index_cast %shift_right_arithmetic3A_356 : i32 to index
        %swap3A_404 = arith.index_cast %add3A_401 : i32 to index
        %swap3A_405 = tpu.vector_load %arg12[%swap3A_402, %swap3A_403, %swap3A_404] {strides = array<i32>} : memref<4x8x128xf32, #tpu.memory_space<vmem>>, vector<1x1x16xf32>,
        %swap3A_406 = vector.shape_cast %swap3A_405 : vector<1x1x16xf32> to vector<16xf32>
        %swap3A_407 = vector.shape_cast %mul3A_399 : vector<16xf32> to vector<1x1x16xf32>
        tpu.vector_store %arg12[%swap3A_402, %swap3A_403, %swap3A_404], %swap3A_407 {strides = array<i32>} : memref<4x8x128xf32, #tpu.memory_space<vmem>>, vector<1x1x16xf32>,
        %get3A_408 = arith.index_cast %add3A_355 : i32 to index
        %get3A_409 = arith.constant 48 : index
        %get3A_410 = tpu.vector_load %arg8[%get3A_408, %get3A_409] {strides = array<i32>} : memref<64x64xf32, #tpu.memory_space<vmem>>, vector<1x16xf32>,
        %get3A_411 = vector.shape_cast %get3A_410 : vector<1x16xf32> to vector<16xf32>
        %mul3A_412 = arith.constant 8.000000e+00 : f32
        %mul3A_413 = vector.broadcast %mul3A_412 : f32 to vector<16xf32>
        %mul3A_414 = arith.mulf %get3A_411, %mul3A_413 : vector<16xf32>
        %add3A_415 = arith.constant 48 : i32
        %add3A_416 = arith.addi %mul3A_364, %add3A_415 : i32
        %swap3A_417 = arith.index_cast %shift_right_arithmetic3A_360 : i32 to index
        %swap3A_418 = arith.index_cast %shift_right_arithmetic3A_356 : i32 to index
        %swap3A_419 = arith.index_cast %add3A_416 : i32 to index
        %swap3A_420 = tpu.vector_load %arg12[%swap3A_417, %swap3A_418, %swap3A_419] {strides = array<i32>} : memref<4x8x128xf32, #tpu.memory_space<vmem>>, vector<1x1x16xf32>,
        %swap3A_421 = vector.shape_cast %swap3A_420 : vector<1x1x16xf32> to vector<16xf32>
        %swap3A_422 = vector.shape_cast %mul3A_414 : vector<16xf32> to vector<1x1x16xf32>
        tpu.vector_store %arg12[%swap3A_417, %swap3A_418, %swap3A_419], %swap3A_422 {strides = array<i32>} : memref<4x8x128xf32, #tpu.memory_space<vmem>>, vector<1x1x16xf32>,
      }
      %scan3A_219 = arith.constant 64 : i32
      %mul3A_220 = arith.constant 16 : i32
      %mul3A_221 = arith.muli %add3A, %mul3A_220 : i32
      %jit3A_222 = arith.constant 25 : i32
      %div3A_223 = arith.divsi %add3A_196, %jit3A_222 : i32
      %sign3A_224 = arith.constant 0 : i32
      %sign3A_225 = arith.cmpi sgt, %add3A_196, %sign3A_224 : i32
      %sign3A_226 = arith.extui %sign3A_225 : i1 to i32
      %sign3A_227 = arith.constant 0 : i32
      %sign3A_228 = arith.cmpi slt, %add3A_196, %sign3A_227 : i32
      %sign3A_229 = arith.extui %sign3A_228 : i1 to i32
      %sign3A_230 = arith.subi %sign3A_226, %sign3A_229 : i32
      %sign3A_231 = arith.constant 0 : i32
      %sign3A_232 = arith.cmpi sgt, %jit3A_222, %sign3A_231 : i32
      %sign3A_233 = arith.extui %sign3A_232 : i1 to i32
      %sign3A_234 = arith.constant 0 : i32
      %sign3A_235 = arith.cmpi slt, %jit3A_222, %sign3A_234 : i32
      %sign3A_236 = arith.extui %sign3A_235 : i1 to i32
      %sign3A_237 = arith.subi %sign3A_233, %sign3A_236 : i32
      %ne3A_238 = arith.cmpi ne, %sign3A_230, %sign3A_237 : i32
      %rem3A_239 = arith.remsi %add3A_196, %jit3A_222 : i32
      %ne3A_240 = arith.constant 0 : i32
      %ne3A_241 = arith.cmpi ne, %rem3A_239, %ne3A_240 : i32
      %and3A_242 = arith.andi %ne3A_238, %ne3A_241 : i1
      %sub3A_243 = arith.constant 1 : i32
      %sub3A_244 = arith.subi %div3A_223, %sub3A_243 : i32
      %select_n3A_245 = arith.select %and3A_242, %sub3A_244, %div3A_223 : i32
      %add3A_246 = arith.addi %mul3A_221, %select_n3A_245 : i32
      %jit3A_247 = arith.constant 25 : i32
      %eq3A_248 = arith.constant 0 : i32
      %eq3A_249 = arith.cmpi eq, %jit3A_247, %eq3A_248 : i32
      %jit3A_250 = arith.constant 1 : i32
      %select_n3A_251 = arith.select %eq3A_249, %jit3A_250, %jit3A_247 : i32
      %rem3A_252 = arith.remsi %add3A_196, %select_n3A_251 : i32
      %ne3A_253 = arith.constant 0 : i32
      %ne3A_254 = arith.cmpi ne, %rem3A_252, %ne3A_253 : i32
      %lt3A_255 = arith.constant 0 : i32
      %lt3A_256 = arith.cmpi slt, %rem3A_252, %lt3A_255 : i32
      %lt3A_257 = arith.constant 0 : i32
      %lt3A_258 = arith.cmpi slt, %select_n3A_251, %lt3A_257 : i32
      %ne3A_259 = arith.xori %lt3A_256, %lt3A_258 : i1
      %and3A_260 = arith.andi %ne3A_259, %ne3A_254 : i1
      %add3A_261 = arith.addi %rem3A_252, %select_n3A_251 : i32
      %select_n3A_262 = arith.select %and3A_260, %add3A_261, %rem3A_252 : i32
      %mul3A_263 = arith.constant 4 : i32
      %mul3A_264 = arith.muli %select_n3A_262, %mul3A_263 : i32
      %dma_start3A_265 = arith.constant 0 : i32
      %dma_start3A_266 = arith.constant 0 : i32
      %dma_start3A_267 = tpu.memref_slice %arg4[%add3A_246, %mul3A_264, %dma_start3A_265, %dma_start3A_266] : memref<512x100x8x128xf32, #tpu.memory_space<hbm>> -> memref<1x4x8x128xf32, #tpu.memory_space<hbm>>
      %dma_start3A_268 = tpu.memref_squeeze %dma_start3A_267 : memref<1x4x8x128xf32, #tpu.memory_space<hbm>> -> memref<4x8x128xf32, #tpu.memory_space<hbm>>
      %dma_start3A_269 = arith.constant 0 : i32
      %dma_start3A_270 = arith.constant 0 : i32
      %dma_start3A_271 = tpu.memref_slice %arg4[%add3A_246, %mul3A_264, %dma_start3A_269, %dma_start3A_270] : memref<512x100x8x128xf32, #tpu.memory_space<hbm>> -> memref<1x4x8x128xf32, #tpu.memory_space<hbm>>
      %dma_start3A_272 = tpu.memref_squeeze %dma_start3A_271 : memref<1x4x8x128xf32, #tpu.memory_space<hbm>> -> memref<4x8x128xf32, #tpu.memory_space<hbm>>
      tpu.enqueue_dma source(%arg12 : memref<4x8x128xf32, #tpu.memory_space<vmem>>) target(%dma_start3A_272 : memref<4x8x128xf32, #tpu.memory_space<hbm>>) target_semaphore(%arg20 : memref<!tpu.dma_semaphore, #tpu.memory_space<semaphore_mem>>)
      %add3A_273 = arith.constant 3 : i32
      %add3A_274 = arith.addi %mul3A_51, %add3A_273 : i32
      %ge3A_275 = arith.constant 2 : i32
      %ge3A_276 = arith.cmpi sge, %add3A_274, %ge3A_275 : i32
      %convert_element_type3A_277 = arith.extui %ge3A_276 : i1 to i32
      %cond3A_278 = arith.constant 0 : i32
      %cond3A_279 = arith.cmpi ne, %convert_element_type3A_277, %cond3A_278 : i32
      scf.if %cond3A_279 {
        %sub3A_351 = arith.constant 2 : i32
        %sub3A_352 = arith.subi %add3A_274, %sub3A_351 : i32
        %mul3A_353 = arith.constant 16 : i32
        %mul3A_354 = arith.muli %add3A, %mul3A_353 : i32
        %jit3A_355 = arith.constant 25 : i32
        %div3A_356 = arith.divsi %sub3A_352, %jit3A_355 : i32
        %sign3A_357 = arith.constant 0 : i32
        %sign3A_358 = arith.cmpi sgt, %sub3A_352, %sign3A_357 : i32
        %sign3A_359 = arith.extui %sign3A_358 : i1 to i32
        %sign3A_360 = arith.constant 0 : i32
        %sign3A_361 = arith.cmpi slt, %sub3A_352, %sign3A_360 : i32
        %sign3A_362 = arith.extui %sign3A_361 : i1 to i32
        %sign3A_363 = arith.subi %sign3A_359, %sign3A_362 : i32
        %sign3A_364 = arith.constant 0 : i32
        %sign3A_365 = arith.cmpi sgt, %jit3A_355, %sign3A_364 : i32
        %sign3A_366 = arith.extui %sign3A_365 : i1 to i32
        %sign3A_367 = arith.constant 0 : i32
        %sign3A_368 = arith.cmpi slt, %jit3A_355, %sign3A_367 : i32
        %sign3A_369 = arith.extui %sign3A_368 : i1 to i32
        %sign3A_370 = arith.subi %sign3A_366, %sign3A_369 : i32
        %ne3A_371 = arith.cmpi ne, %sign3A_363, %sign3A_370 : i32
        %rem3A_372 = arith.remsi %sub3A_352, %jit3A_355 : i32
        %ne3A_373 = arith.constant 0 : i32
        %ne3A_374 = arith.cmpi ne, %rem3A_372, %ne3A_373 : i32
        %and3A_375 = arith.andi %ne3A_371, %ne3A_374 : i1
        %sub3A_376 = arith.constant 1 : i32
        %sub3A_377 = arith.subi %div3A_356, %sub3A_376 : i32
        %select_n3A_378 = arith.select %and3A_375, %sub3A_377, %div3A_356 : i32
        %add3A_379 = arith.addi %mul3A_354, %select_n3A_378 : i32
        %jit3A_380 = arith.constant 25 : i32
        %eq3A_381 = arith.constant 0 : i32
        %eq3A_382 = arith.cmpi eq, %jit3A_380, %eq3A_381 : i32
        %jit3A_383 = arith.constant 1 : i32
        %select_n3A_384 = arith.select %eq3A_382, %jit3A_383, %jit3A_380 : i32
        %rem3A_385 = arith.remsi %sub3A_352, %select_n3A_384 : i32
        %ne3A_386 = arith.constant 0 : i32
        %ne3A_387 = arith.cmpi ne, %rem3A_385, %ne3A_386 : i32
        %lt3A_388 = arith.constant 0 : i32
        %lt3A_389 = arith.cmpi slt, %rem3A_385, %lt3A_388 : i32
        %lt3A_390 = arith.constant 0 : i32
        %lt3A_391 = arith.cmpi slt, %select_n3A_384, %lt3A_390 : i32
        %ne3A_392 = arith.xori %lt3A_389, %lt3A_391 : i1
        %and3A_393 = arith.andi %ne3A_392, %ne3A_387 : i1
        %add3A_394 = arith.addi %rem3A_385, %select_n3A_384 : i32
        %select_n3A_395 = arith.select %and3A_393, %add3A_394, %rem3A_385 : i32
        %mul3A_396 = arith.constant 4 : i32
        %mul3A_397 = arith.muli %select_n3A_395, %mul3A_396 : i32
        %dma_wait3A_398 = arith.constant 0 : i32
        %dma_wait3A_399 = arith.constant 0 : i32
        %dma_wait3A_400 = tpu.memref_slice %arg4[%add3A_379, %mul3A_397, %dma_wait3A_398, %dma_wait3A_399] : memref<512x100x8x128xf32, #tpu.memory_space<hbm>> -> memref<1x4x8x128xf32, #tpu.memory_space<hbm>>
        %dma_wait3A_401 = tpu.memref_squeeze %dma_wait3A_400 : memref<1x4x8x128xf32, #tpu.memory_space<hbm>> -> memref<4x8x128xf32, #tpu.memory_space<hbm>>
        %dma_wait3A_402 = arith.constant 0 : i32
        %dma_wait3A_403 = arith.constant 0 : i32
        %dma_wait3A_404 = tpu.memref_slice %arg4[%add3A_379, %mul3A_397, %dma_wait3A_402, %dma_wait3A_403] : memref<512x100x8x128xf32, #tpu.memory_space<hbm>> -> memref<1x4x8x128xf32, #tpu.memory_space<hbm>>
        %dma_wait3A_405 = tpu.memref_squeeze %dma_wait3A_404 : memref<1x4x8x128xf32, #tpu.memory_space<hbm>> -> memref<4x8x128xf32, #tpu.memory_space<hbm>>
        tpu.wait_dma2 semaphore(%arg19 : memref<!tpu.dma_semaphore, #tpu.memory_space<semaphore_mem>>) src(%arg11 : memref<4x8x128xf32, #tpu.memory_space<vmem>>) dst(%dma_wait3A_405 : memref<4x8x128xf32, #tpu.memory_space<hbm>>)
      } else {
      }
      %add3A_280 = arith.constant 2 : i32
      %add3A_281 = arith.addi %add3A_274, %add3A_280 : i32
      %lt3A_282 = arith.constant 400 : i32
      %lt3A_283 = arith.cmpi slt, %add3A_281, %lt3A_282 : i32
      %convert_element_type3A_284 = arith.extui %lt3A_283 : i1 to i32
      %cond3A_285 = arith.constant 0 : i32
      %cond3A_286 = arith.cmpi ne, %convert_element_type3A_284, %cond3A_285 : i32
      scf.if %cond3A_286 {
        %add3A_351 = arith.constant 2 : i32
        %add3A_352 = arith.addi %add3A_274, %add3A_351 : i32
        %dma_start3A_353 = arith.constant 0 : i32
        %dma_start3A_354 = tpu.memref_slice %arg5[%add3A_352, %dma_start3A_353] : memref<400x64xi32, #tpu.memory_space<vmem>> -> memref<1x64xi32, #tpu.memory_space<vmem>>
        %dma_start3A_355 = tpu.memref_squeeze %dma_start3A_354 : memref<1x64xi32, #tpu.memory_space<vmem>> -> memref<64xi32, #tpu.memory_space<vmem>>
        %dma_start3A_356 = arith.constant 0 : i32
        %dma_start3A_357 = arith.constant 0 : i32
        %dma_start3A_358 = tpu.memref_slice %arg3[%dma_start3A_356, %dma_start3A_357] : memref<1000000x64xf32, #tpu.memory_space<hbm>> -> memref<1000000x64xf32, #tpu.memory_space<hbm>>
        tpu.enqueue_indirect_dma source(%dma_start3A_358 : memref<1000000x64xf32, #tpu.memory_space<hbm>>) target(%arg7 : memref<64x64xf32, #tpu.memory_space<vmem>>) offsets(%dma_start3A_355 : memref<64xi32, #tpu.memory_space<vmem>>) semaphore(%arg15 : memref<!tpu.dma_semaphore, #tpu.memory_space<semaphore_mem>>)
      } else {
      }
      %dma_wait3A_287 = arith.constant 0 : i32
      %dma_wait3A_288 = tpu.memref_slice %arg5[%add3A_274, %dma_wait3A_287] : memref<400x64xi32, #tpu.memory_space<vmem>> -> memref<1x64xi32, #tpu.memory_space<vmem>>
      %dma_wait3A_289 = tpu.memref_squeeze %dma_wait3A_288 : memref<1x64xi32, #tpu.memory_space<vmem>> -> memref<64xi32, #tpu.memory_space<vmem>>
      %dma_wait3A_290 = arith.constant 0 : i32
      %dma_wait3A_291 = arith.constant 0 : i32
      %dma_wait3A_292 = tpu.memref_slice %arg3[%dma_wait3A_290, %dma_wait3A_291] : memref<1000000x64xf32, #tpu.memory_space<hbm>> -> memref<1000000x64xf32, #tpu.memory_space<hbm>>
      tpu.wait_indirect_dma semaphore(%arg17 : memref<!tpu.dma_semaphore, #tpu.memory_space<semaphore_mem>>) src(%dma_wait3A_292 : memref<1000000x64xf32, #tpu.memory_space<hbm>>) dst(%arg9 : memref<64x64xf32, #tpu.memory_space<vmem>>)
      %scan3A_293 = arith.constant 0 : i32
      %scan3A_294 = arith.constant 64 : i32
      %scan3A_295 = arith.addi %scan3A_293, %scan3A_294 : i32
      %scan3A_296 = arith.constant 1 : i32
      scf.for %scan3A_351 = %scan3A_293 to %scan3A_295 step %scan3A_296  : i32 {
        %mul3A_352 = arith.constant 1 : i32
        %mul3A_353 = arith.muli %scan3A_351, %mul3A_352 : i32
        %add3A_354 = arith.constant 0 : i32
        %add3A_355 = arith.addi %add3A_354, %mul3A_353 : i32
        %shift_right_arithmetic3A = arith.constant 3 : i32
        %shift_right_arithmetic3A_356 = arith.shrsi %add3A_355, %shift_right_arithmetic3A : i32
        %and3A_357 = arith.constant 7 : i32
        %and3A_358 = arith.andi %add3A_355, %and3A_357 : i32
        %shift_right_arithmetic3A_359 = arith.constant 1 : i32
        %shift_right_arithmetic3A_360 = arith.shrsi %and3A_358, %shift_right_arithmetic3A_359 : i32
        %and3A_361 = arith.constant 1 : i32
        %and3A_362 = arith.andi %and3A_358, %and3A_361 : i32
        %mul3A_363 = arith.constant 64 : i32
        %mul3A_364 = arith.muli %and3A_362, %mul3A_363 : i32
        %get3A = arith.index_cast %add3A_355 : i32 to index
        %get3A_365 = arith.constant 0 : index
        %get3A_366 = tpu.vector_load %arg9[%get3A, %get3A_365] {strides = array<i32>} : memref<64x64xf32, #tpu.memory_space<vmem>>, vector<1x16xf32>,
        %get3A_367 = vector.shape_cast %get3A_366 : vector<1x16xf32> to vector<16xf32>
        %mul3A_368 = arith.constant 8.000000e+00 : f32
        %mul3A_369 = vector.broadcast %mul3A_368 : f32 to vector<16xf32>
        %mul3A_370 = arith.mulf %get3A_367, %mul3A_369 : vector<16xf32>
        %add3A_371 = arith.constant 0 : i32
        %add3A_372 = arith.addi %mul3A_364, %add3A_371 : i32
        %swap3A = arith.index_cast %shift_right_arithmetic3A_360 : i32 to index
        %swap3A_373 = arith.index_cast %shift_right_arithmetic3A_356 : i32 to index
        %swap3A_374 = arith.index_cast %add3A_372 : i32 to index
        %swap3A_375 = tpu.vector_load %arg13[%swap3A, %swap3A_373, %swap3A_374] {strides = array<i32>} : memref<4x8x128xf32, #tpu.memory_space<vmem>>, vector<1x1x16xf32>,
        %swap3A_376 = vector.shape_cast %swap3A_375 : vector<1x1x16xf32> to vector<16xf32>
        %swap3A_377 = vector.shape_cast %mul3A_370 : vector<16xf32> to vector<1x1x16xf32>
        tpu.vector_store %arg13[%swap3A, %swap3A_373, %swap3A_374], %swap3A_377 {strides = array<i32>} : memref<4x8x128xf32, #tpu.memory_space<vmem>>, vector<1x1x16xf32>,
        %get3A_378 = arith.index_cast %add3A_355 : i32 to index
        %get3A_379 = arith.constant 16 : index
        %get3A_380 = tpu.vector_load %arg9[%get3A_378, %get3A_379] {strides = array<i32>} : memref<64x64xf32, #tpu.memory_space<vmem>>, vector<1x16xf32>,
        %get3A_381 = vector.shape_cast %get3A_380 : vector<1x16xf32> to vector<16xf32>
        %mul3A_382 = arith.constant 8.000000e+00 : f32
        %mul3A_383 = vector.broadcast %mul3A_382 : f32 to vector<16xf32>
        %mul3A_384 = arith.mulf %get3A_381, %mul3A_383 : vector<16xf32>
        %add3A_385 = arith.constant 16 : i32
        %add3A_386 = arith.addi %mul3A_364, %add3A_385 : i32
        %swap3A_387 = arith.index_cast %shift_right_arithmetic3A_360 : i32 to index
        %swap3A_388 = arith.index_cast %shift_right_arithmetic3A_356 : i32 to index
        %swap3A_389 = arith.index_cast %add3A_386 : i32 to index
        %swap3A_390 = tpu.vector_load %arg13[%swap3A_387, %swap3A_388, %swap3A_389] {strides = array<i32>} : memref<4x8x128xf32, #tpu.memory_space<vmem>>, vector<1x1x16xf32>,
        %swap3A_391 = vector.shape_cast %swap3A_390 : vector<1x1x16xf32> to vector<16xf32>
        %swap3A_392 = vector.shape_cast %mul3A_384 : vector<16xf32> to vector<1x1x16xf32>
        tpu.vector_store %arg13[%swap3A_387, %swap3A_388, %swap3A_389], %swap3A_392 {strides = array<i32>} : memref<4x8x128xf32, #tpu.memory_space<vmem>>, vector<1x1x16xf32>,
        %get3A_393 = arith.index_cast %add3A_355 : i32 to index
        %get3A_394 = arith.constant 32 : index
        %get3A_395 = tpu.vector_load %arg9[%get3A_393, %get3A_394] {strides = array<i32>} : memref<64x64xf32, #tpu.memory_space<vmem>>, vector<1x16xf32>,
        %get3A_396 = vector.shape_cast %get3A_395 : vector<1x16xf32> to vector<16xf32>
        %mul3A_397 = arith.constant 8.000000e+00 : f32
        %mul3A_398 = vector.broadcast %mul3A_397 : f32 to vector<16xf32>
        %mul3A_399 = arith.mulf %get3A_396, %mul3A_398 : vector<16xf32>
        %add3A_400 = arith.constant 32 : i32
        %add3A_401 = arith.addi %mul3A_364, %add3A_400 : i32
        %swap3A_402 = arith.index_cast %shift_right_arithmetic3A_360 : i32 to index
        %swap3A_403 = arith.index_cast %shift_right_arithmetic3A_356 : i32 to index
        %swap3A_404 = arith.index_cast %add3A_401 : i32 to index
        %swap3A_405 = tpu.vector_load %arg13[%swap3A_402, %swap3A_403, %swap3A_404] {strides = array<i32>} : memref<4x8x128xf32, #tpu.memory_space<vmem>>, vector<1x1x16xf32>,
        %swap3A_406 = vector.shape_cast %swap3A_405 : vector<1x1x16xf32> to vector<16xf32>
        %swap3A_407 = vector.shape_cast %mul3A_399 : vector<16xf32> to vector<1x1x16xf32>
        tpu.vector_store %arg13[%swap3A_402, %swap3A_403, %swap3A_404], %swap3A_407 {strides = array<i32>} : memref<4x8x128xf32, #tpu.memory_space<vmem>>, vector<1x1x16xf32>,
        %get3A_408 = arith.index_cast %add3A_355 : i32 to index
        %get3A_409 = arith.constant 48 : index
        %get3A_410 = tpu.vector_load %arg9[%get3A_408, %get3A_409] {strides = array<i32>} : memref<64x64xf32, #tpu.memory_space<vmem>>, vector<1x16xf32>,
        %get3A_411 = vector.shape_cast %get3A_410 : vector<1x16xf32> to vector<16xf32>
        %mul3A_412 = arith.constant 8.000000e+00 : f32
        %mul3A_413 = vector.broadcast %mul3A_412 : f32 to vector<16xf32>
        %mul3A_414 = arith.mulf %get3A_411, %mul3A_413 : vector<16xf32>
        %add3A_415 = arith.constant 48 : i32
        %add3A_416 = arith.addi %mul3A_364, %add3A_415 : i32
        %swap3A_417 = arith.index_cast %shift_right_arithmetic3A_360 : i32 to index
        %swap3A_418 = arith.index_cast %shift_right_arithmetic3A_356 : i32 to index
        %swap3A_419 = arith.index_cast %add3A_416 : i32 to index
        %swap3A_420 = tpu.vector_load %arg13[%swap3A_417, %swap3A_418, %swap3A_419] {strides = array<i32>} : memref<4x8x128xf32, #tpu.memory_space<vmem>>, vector<1x1x16xf32>,
        %swap3A_421 = vector.shape_cast %swap3A_420 : vector<1x1x16xf32> to vector<16xf32>
        %swap3A_422 = vector.shape_cast %mul3A_414 : vector<16xf32> to vector<1x1x16xf32>
        tpu.vector_store %arg13[%swap3A_417, %swap3A_418, %swap3A_419], %swap3A_422 {strides = array<i32>} : memref<4x8x128xf32, #tpu.memory_space<vmem>>, vector<1x1x16xf32>,
      }
      %scan3A_297 = arith.constant 64 : i32
      %mul3A_298 = arith.constant 16 : i32
      %mul3A_299 = arith.muli %add3A, %mul3A_298 : i32
      %jit3A_300 = arith.constant 25 : i32
      %div3A_301 = arith.divsi %add3A_274, %jit3A_300 : i32
      %sign3A_302 = arith.constant 0 : i32
      %sign3A_303 = arith.cmpi sgt, %add3A_274, %sign3A_302 : i32
      %sign3A_304 = arith.extui %sign3A_303 : i1 to i32
      %sign3A_305 = arith.constant 0 : i32
      %sign3A_306 = arith.cmpi slt, %add3A_274, %sign3A_305 : i32
      %sign3A_307 = arith.extui %sign3A_306 : i1 to i32
      %sign3A_308 = arith.subi %sign3A_304, %sign3A_307 : i32
      %sign3A_309 = arith.constant 0 : i32
      %sign3A_310 = arith.cmpi sgt, %jit3A_300, %sign3A_309 : i32
      %sign3A_311 = arith.extui %sign3A_310 : i1 to i32
      %sign3A_312 = arith.constant 0 : i32
      %sign3A_313 = arith.cmpi slt, %jit3A_300, %sign3A_312 : i32
      %sign3A_314 = arith.extui %sign3A_313 : i1 to i32
      %sign3A_315 = arith.subi %sign3A_311, %sign3A_314 : i32
      %ne3A_316 = arith.cmpi ne, %sign3A_308, %sign3A_315 : i32
      %rem3A_317 = arith.remsi %add3A_274, %jit3A_300 : i32
      %ne3A_318 = arith.constant 0 : i32
      %ne3A_319 = arith.cmpi ne, %rem3A_317, %ne3A_318 : i32
      %and3A_320 = arith.andi %ne3A_316, %ne3A_319 : i1
      %sub3A_321 = arith.constant 1 : i32
      %sub3A_322 = arith.subi %div3A_301, %sub3A_321 : i32
      %select_n3A_323 = arith.select %and3A_320, %sub3A_322, %div3A_301 : i32
      %add3A_324 = arith.addi %mul3A_299, %select_n3A_323 : i32
      %jit3A_325 = arith.constant 25 : i32
      %eq3A_326 = arith.constant 0 : i32
      %eq3A_327 = arith.cmpi eq, %jit3A_325, %eq3A_326 : i32
      %jit3A_328 = arith.constant 1 : i32
      %select_n3A_329 = arith.select %eq3A_327, %jit3A_328, %jit3A_325 : i32
      %rem3A_330 = arith.remsi %add3A_274, %select_n3A_329 : i32
      %ne3A_331 = arith.constant 0 : i32
      %ne3A_332 = arith.cmpi ne, %rem3A_330, %ne3A_331 : i32
      %lt3A_333 = arith.constant 0 : i32
      %lt3A_334 = arith.cmpi slt, %rem3A_330, %lt3A_333 : i32
      %lt3A_335 = arith.constant 0 : i32
      %lt3A_336 = arith.cmpi slt, %select_n3A_329, %lt3A_335 : i32
      %ne3A_337 = arith.xori %lt3A_334, %lt3A_336 : i1
      %and3A_338 = arith.andi %ne3A_337, %ne3A_332 : i1
      %add3A_339 = arith.addi %rem3A_330, %select_n3A_329 : i32
      %select_n3A_340 = arith.select %and3A_338, %add3A_339, %rem3A_330 : i32
      %mul3A_341 = arith.constant 4 : i32
      %mul3A_342 = arith.muli %select_n3A_340, %mul3A_341 : i32
      %dma_start3A_343 = arith.constant 0 : i32
      %dma_start3A_344 = arith.constant 0 : i32
      %dma_start3A_345 = tpu.memref_slice %arg4[%add3A_324, %mul3A_342, %dma_start3A_343, %dma_start3A_344] : memref<512x100x8x128xf32, #tpu.memory_space<hbm>> -> memref<1x4x8x128xf32, #tpu.memory_space<hbm>>
      %dma_start3A_346 = tpu.memref_squeeze %dma_start3A_345 : memref<1x4x8x128xf32, #tpu.memory_space<hbm>> -> memref<4x8x128xf32, #tpu.memory_space<hbm>>
      %dma_start3A_347 = arith.constant 0 : i32
      %dma_start3A_348 = arith.constant 0 : i32
      %dma_start3A_349 = tpu.memref_slice %arg4[%add3A_324, %mul3A_342, %dma_start3A_347, %dma_start3A_348] : memref<512x100x8x128xf32, #tpu.memory_space<hbm>> -> memref<1x4x8x128xf32, #tpu.memory_space<hbm>>
      %dma_start3A_350 = tpu.memref_squeeze %dma_start3A_349 : memref<1x4x8x128xf32, #tpu.memory_space<hbm>> -> memref<4x8x128xf32, #tpu.memory_space<hbm>>
      tpu.enqueue_dma source(%arg13 : memref<4x8x128xf32, #tpu.memory_space<vmem>>) target(%dma_start3A_350 : memref<4x8x128xf32, #tpu.memory_space<hbm>>) target_semaphore(%arg21 : memref<!tpu.dma_semaphore, #tpu.memory_space<semaphore_mem>>)
    }
    %scan3A_17 = arith.constant 100 : i32
    %mul3A_18 = arith.constant 16 : i32
    %mul3A_19 = arith.muli %add3A, %mul3A_18 : i32
    %add3A_20 = arith.constant 15 : i32
    %add3A_21 = arith.addi %mul3A_19, %add3A_20 : i32
    %dma_wait3A = arith.constant 92 : i32
    %dma_wait3A_22 = arith.constant 0 : i32
    %dma_wait3A_23 = arith.constant 0 : i32
    %dma_wait3A_24 = tpu.memref_slice %arg4[%add3A_21, %dma_wait3A, %dma_wait3A_22, %dma_wait3A_23] : memref<512x100x8x128xf32, #tpu.memory_space<hbm>> -> memref<1x4x8x128xf32, #tpu.memory_space<hbm>>
    %dma_wait3A_25 = tpu.memref_squeeze %dma_wait3A_24 : memref<1x4x8x128xf32, #tpu.memory_space<hbm>> -> memref<4x8x128xf32, #tpu.memory_space<hbm>>
    %dma_wait3A_26 = arith.constant 92 : i32
    %dma_wait3A_27 = arith.constant 0 : i32
    %dma_wait3A_28 = arith.constant 0 : i32
    %dma_wait3A_29 = tpu.memref_slice %arg4[%add3A_21, %dma_wait3A_26, %dma_wait3A_27, %dma_wait3A_28] : memref<512x100x8x128xf32, #tpu.memory_space<hbm>> -> memref<1x4x8x128xf32, #tpu.memory_space<hbm>>
    %dma_wait3A_30 = tpu.memref_squeeze %dma_wait3A_29 : memref<1x4x8x128xf32, #tpu.memory_space<hbm>> -> memref<4x8x128xf32, #tpu.memory_space<hbm>>
    tpu.wait_dma2 semaphore(%arg20 : memref<!tpu.dma_semaphore, #tpu.memory_space<semaphore_mem>>) src(%arg12 : memref<4x8x128xf32, #tpu.memory_space<vmem>>) dst(%dma_wait3A_30 : memref<4x8x128xf32, #tpu.memory_space<hbm>>)
    %mul3A_31 = arith.constant 16 : i32
    %mul3A_32 = arith.muli %add3A, %mul3A_31 : i32
    %add3A_33 = arith.constant 15 : i32
    %add3A_34 = arith.addi %mul3A_32, %add3A_33 : i32
    %dma_wait3A_35 = arith.constant 96 : i32
    %dma_wait3A_36 = arith.constant 0 : i32
    %dma_wait3A_37 = arith.constant 0 : i32
    %dma_wait3A_38 = tpu.memref_slice %arg4[%add3A_34, %dma_wait3A_35, %dma_wait3A_36, %dma_wait3A_37] : memref<512x100x8x128xf32, #tpu.memory_space<hbm>> -> memref<1x4x8x128xf32, #tpu.memory_space<hbm>>
    %dma_wait3A_39 = tpu.memref_squeeze %dma_wait3A_38 : memref<1x4x8x128xf32, #tpu.memory_space<hbm>> -> memref<4x8x128xf32, #tpu.memory_space<hbm>>
    %dma_wait3A_40 = arith.constant 96 : i32
    %dma_wait3A_41 = arith.constant 0 : i32
    %dma_wait3A_42 = arith.constant 0 : i32
    %dma_wait3A_43 = tpu.memref_slice %arg4[%add3A_34, %dma_wait3A_40, %dma_wait3A_41, %dma_wait3A_42] : memref<512x100x8x128xf32, #tpu.memory_space<hbm>> -> memref<1x4x8x128xf32, #tpu.memory_space<hbm>>
    %dma_wait3A_44 = tpu.memref_squeeze %dma_wait3A_43 : memref<1x4x8x128xf32, #tpu.memory_space<hbm>> -> memref<4x8x128xf32, #tpu.memory_space<hbm>>
    tpu.wait_dma2 semaphore(%arg21 : memref<!tpu.dma_semaphore, #tpu.memory_space<semaphore_mem>>) src(%arg13 : memref<4x8x128xf32, #tpu.memory_space<vmem>>) dst(%dma_wait3A_44 : memref<4x8x128xf32, #tpu.memory_space<hbm>>)
    return
  }
}

</mosaic_0001>

<sc_bundles>
// kernel: kernel.3.cloned.1.call-start
scs
__scs_entry_jumppad:
0x0: {  	(pc) =	sbr.rel $0x88, $3  }
0x1: {  	(tag) =	ssettag $0x0;
	lr =	simm.s32 $0x1  }
0x2: {  	[smem:$0x3F9F] =	sst lr;
	_ =	strace $0xD0000000  }
0x3: {  	_ = 	snop  }
0x4: {  	_ = 	snop  }
0x5: {  	_ = 	snop  }
0x6: {  	_ = 	snop  }
0x7: {  	_ = 	snop  }
__scs_overlays_trampoline_lowered:
0x8: {  	[smem:$0x3FAE] =	sst s0  }
0x9: {  	[smem:$0x3FAF] =	sst s1  }
0xa: {  	[smem:$0x3FB0] =	sst s2  }
0xb: {  	[smem:$0x3FB1] =	sst s3  }
0xc: {  	[smem:$0x3FB2] =	sst s4  }
0xd: {  	[smem:$0x3FB3] =	sst s5  }
0xe: {  	[smem:$0x3FB4] =	sst s6  }
0xf: {  	[smem:$0x3FB5] =	sst s7  }
0x10: {  	[smem:$0x3FB6] =	sst s8  }
0x11: {  	[smem:$0x3FB7] =	sst s9;
	s0 =	simm.s32 @!p0 $0x0  }
0x12: {  	s1 =	sld [smem:$0x3F9D];
	s0 =	simm.s32 @p0 $0x1  }
0x13: {  	[smem:$0x3FB8] =	sst s0;
	s0 =	simm.s32 @!p1 $0x0  }
0x14: {  	s2 =	sld [smem:$0x3F9C];
	s0 =	simm.s32 @p1 $0x1  }
0x15: {  	[smem:$0x3FB9] =	sst s0;
	s0 =	simm.s32 @!p2 $0x0  }
0x16: {  	s3 =	sld [smem:$0x3FDB];
	s0 =	simm.s32 @p2 $0x1  }
0x17: {  	s4 =	simm.s32 $0x1BF5;
	[smem:$0x3FBB] =	sst s0  }
0x18: {  	s0 =	sld [smem:$0x3F9E];
	_ =	swait.ge [sflag:s4], $0x0  }
0x19: {  	s7 =	sld [smem:$0x3F9F]  }
0x1a: {  	s8 =	sadd.s32 $0xFFFFE003, lr  }
0x1b: {  	s9 =	sadd.s32 $0xFFFFFEF7, lr;
	s5 =	simm.s32 $0xFFFFFFFF;
	p2 =	slt.u32 s8, $0xFFFFF086  }
0x1c: {  	p1 =	slt.u32 s9, $0xF7A;
	s5 =	simm.s32 @!p2 $0x0  }
0x1d: {  	s5 =	simm.s32 @p1 $0x1;
	p0 =	seq.s32 s7, s2  }
0x1e: {  	s7 =	smul.u32 @!p0 $0xF7A, s2;
	p2 =	seq.s32 @!p0 s5, $0x0  }
0x1f: {  	s9 =	smul.u32 $0xF7A, s1;
	s8 =	simm.s32 @!p0 $0x1BF5;
	p2 =	por !p2, p0  }
0x20: {  	[sflag:s8] =	ssyncset.s32 @!p0 $0xFFFFF086;
	s6 =	sadd.s32 @!p0 s3, s7;
	s7 =	simm.s32 @!p0 $0x108  }
0x21: {  	s3 =	sadd.s32 s3, s9;
	s6 =	sadd.s32 @!p0 $0x88, s6;
	s7 =	simm.s32 @p2 $0x1082  }
0x22: {  	[simem:s7], [sflag:s8] =	dma.local @!p0 [hbm:s6], $0xF7A  }
0x23: {  	s9 =	sor.u32 $0xD0000000, s2;
	s6 =	simm.s32 $0x108;
	_ =	swait.ge @!p0 [sflag:s8], $0x0  }
0x24: {  	s3 =	sadd.s32 $0x88, s3;
	s6 =	simm.s32 @!p1 $0x1082;
	[sflag:s4] =	ssyncset.s32 $0xFFFFF086  }
0x25: {  	[simem:s6], [sflag:s4] =	dma.local [hbm:s3], $0xF7A  }
0x26: {  	[smem:$0x3F9F] =	sst s1;
	(tag) =	ssettag s2;
	_ =	strace s9  }
0x27: {  	s1 =	sld [smem:$0x3FAF]  }
0x28: {  	s2 =	sld [smem:$0x3FB0]  }
0x29: {  	s4 =	sld [smem:$0x3FB2]  }
0x2a: {  	p0 =	seq.s32 s5, $0x0;
	s5 =	sld [smem:$0x3FB3]  }
0x2b: {  	s6 =	sld [smem:$0x3FB4]  }
0x2c: {  	s7 =	sld [smem:$0x3FB5]  }
0x2d: {  	s3 =	simm.s32 $0x108;
	s8 =	sld [smem:$0x3FB6]  }
0x2e: {  	s3 =	simm.s32 @!p0 $0x1082;
	s9 =	sld [smem:$0x3FB7]  }
0x2f: {  	lr =	sadd.s32 s0, s3;
	s0 =	sld [smem:$0x3FAE]  }
0x30: {  	s3 =	sld [smem:$0x3FB1]  }
0x31: {  	[smem:$0x3FBA] =	sst s10  }
0x32: {  	s10 =	sld [smem:$0x3FB8];
	_ =	sdelay $0x3  }
0x33: {  	p0 =	seq.s32 s10, $0x1;
	s10 =	sld [smem:$0x3FBA];
	_ =	sdelay $0x3  }
0x34: {  	[smem:$0x3FBA] =	sst s10  }
0x35: {  	s10 =	sld [smem:$0x3FB9];
	_ =	sdelay $0x3  }
0x36: {  	p1 =	seq.s32 s10, $0x1;
	s10 =	sld [smem:$0x3FBA];
	_ =	sdelay $0x3  }
0x37: {  	[smem:$0x3FBA] =	sst s10  }
0x38: {  	s10 =	sld [smem:$0x3FBB]  }
0x39: {  	_ = 	snop;
	(pc) =	sbr.ind lr, $3  }
0x3a: {  	_ = 	snop  }
0x3b: {  	_ = 	snop  }
0x3c: {  	p2 =	seq.s32 s10, $0x1;
	s10 =	sld [smem:$0x3FBA]  }
0x3d: {  	_ =	shalt  }
0x3e: {  	_ =	shalt  }
0x3f: {  	_ =	shalt  }
0x40: {  	_ =	shalt  }
0x41: {  	_ =	shalt  }
0x42: {  	_ =	shalt  }
0x43: {  	_ =	shalt  }
0x44: {  	_ =	shalt  }
0x45: {  	_ =	shalt  }
0x46: {  	_ =	shalt  }
0x47: {  	_ =	shalt  }
0x48: {  	_ =	shalt  }
0x49: {  	_ =	shalt  }
0x4a: {  	_ =	shalt  }
0x4b: {  	_ =	shalt  }
0x4c: {  	_ =	shalt  }
0x4d: {  	_ =	shalt  }
0x4e: {  	_ =	shalt  }
0x4f: {  	_ =	shalt  }
0x50: {  	_ =	shalt  }
0x51: {  	_ =	shalt  }
0x52: {  	_ =	shalt  }
0x53: {  	_ =	shalt  }
0x54: {  	_ =	shalt  }
0x55: {  	_ =	shalt  }
0x56: {  	_ =	shalt  }
0x57: {  	_ =	shalt  }
0x58: {  	_ =	shalt  }
0x59: {  	_ =	shalt  }
0x5a: {  	_ =	shalt  }
0x5b: {  	_ =	shalt  }
0x5c: {  	_ =	shalt  }
0x5d: {  	_ =	shalt  }
0x5e: {  	_ =	shalt  }
0x5f: {  	_ =	shalt  }
0x60: {  	_ =	shalt  }
0x61: {  	_ =	shalt  }
0x62: {  	_ =	shalt  }
0x63: {  	_ =	shalt  }
0x64: {  	_ =	shalt  }
0x65: {  	_ =	shalt  }
0x66: {  	_ =	shalt  }
0x67: {  	_ =	shalt  }
0x68: {  	_ =	shalt  }
0x69: {  	_ =	shalt  }
0x6a: {  	_ =	shalt  }
0x6b: {  	_ =	shalt  }
0x6c: {  	_ =	shalt  }
0x6d: {  	_ =	shalt  }
0x6e: {  	_ =	shalt  }
0x6f: {  	_ =	shalt  }
0x70: {  	_ =	shalt  }
0x71: {  	_ =	shalt  }
0x72: {  	_ =	shalt  }
0x73: {  	_ =	shalt  }
0x74: {  	_ =	shalt  }
0x75: {  	_ =	shalt  }
0x76: {  	_ =	shalt  }
0x77: {  	_ =	shalt  }
0x78: {  	_ =	shalt  }
0x79: {  	_ =	shalt  }
0x7a: {  	_ =	shalt  }
0x7b: {  	_ =	shalt  }
0x7c: {  	_ =	shalt  }
0x7d: {  	_ =	shalt  }
0x7e: {  	_ =	shalt  }
0x7f: {  	_ =	shalt  }
0x80: {  	_ =	shalt  }
0x81: {  	_ =	shalt  }
0x82: {  	_ =	shalt  }
0x83: {  	_ =	shalt  }
0x84: {  	_ =	shalt  }
0x85: {  	_ =	shalt  }
0x86: {  	_ =	shalt  }
0x87: {  	_ =	shalt  }
.Lfunc_end0:
.L_simem_size_0:
called_computation.3_lowered:
.L_overlay_start_0:
0x88: {  	s2 =	sld [smem:$0x3FD9]  }
0x89: {  	s3 =	sld [smem:$0x3FFE];
	_ =	sdelay $0x1  }
0x8a: {  	s1 =	srdreg.scid  }
0x8b: {  	s0 =	sand.u32 $0x1, s1  }
0x8c: {  	s17 =	sshll.u32 s0, $0xA;
	s2 =	sadd.s32 s3, s2  }
0x8d: {  	s2 =	sadd.s32 s2, s17  }
0x8e: {  	[smem:$0x3FC6] =	sst s2  }
0x8f: {  	_ = 	snop  }
0x90: {  	s2 =	sld [smem:$0x3FD0];
	(tm) =	ssettm $0x1  }
0x91: {  	s18 =	sld [smem:$0x3FFB];
	_ =	sdelay $0x3  }
0x92: {  	_ =	strace s18  }
0x93: {  	s3 =	sld [smem:$0x3FFC];
	_ =	sdelay $0x3  }
0x94: {  	_ =	strace s3  }
0x95: {  	s3 =	sld [smem:$0x3FFD];
	_ =	sdelay $0x3  }
0x96: {  	_ =	strace s3  }
0x97: {  	_ =	strace $0x8FFFFFFF  }
0x98: {  	s19 =	sld [smem:$0x3FDB];
	_ =	sdelay $0x1  }
0x99: {  	s4 =	simm.s32 $_scs_section_size  }
0x9a: {  	s5 =	simm.s32 $_size__tile_overlayer_lowered;
	s6 =	simm.s32 $_tile_overlayer_lowered  }
0x9b: {  	s22 =	simm.s32 $0x1BFF;
	s21 =	sshll.u32 s6, $0x1;
	s3 =	sadd.s32 s4, s19  }
0x9c: {  	s7 =	simm.s32 $0x0;
	s20 =	sshll.u32 s5, $0x1;
	s5 =	sadd.s32 s21, s3  }
0x9d: {  	[timem:s7], [sflag:s22] =	dma.local [hbm:s5], s20  }
0x9e: {  	_ =	swait.ge [sflag:s22], s20  }
0x9f: {  	s4 =	ssub.s32 $0x0, s20;
	[sflag:s22] =	ssyncset.done $0x0  }
0xa0: {  	[sflag:s22] =	ssyncadd.s32 s4;
	_ =	sdelay $0x1  }
0xa1: {  	s23 =	simm.s32 $0x1B8B  }
0xa2: {  	_ =	swait.ge [sflag:s23], $0x1  }
0xa3: {  	[sflag:s23] =	ssyncset.done $0x0  }
0xa4: {  	s25 =	simm.s32 $0x1B8E;
	s24 =	sld [smem:$0x3FFE];
	[sflag:s23] =	ssyncadd.s32 $0xFFFFFFFF  }
0xa5: {  	s26 =	simm.s32 $execute0_lowered;
	[smem:$0x3FD2] =	sst s25  }
0xa6: {  	s5 =	sshll.u32 s26, $0x1;
	_ =	strace $0x80000049;
	[dreg:$0x1] =	wrdreg $0xFFFFFFFF  }
0xa7: {  	s28 =	simm.s32 $_size_execute0_lowered;
	s3 =	sadd.s32 s3, s5;
	[dreg:$0x0] =	wrdreg $0x0  }
0xa8: {  	s5 =	sshll.u32 s28, $0x1;
	[dreg:$0x2] =	wrdreg s3  }
0xa9: {  	[dreg:$0x3] =	wrdreg s5  }
0xaa: {  	[dreg:$0x4] =	wrdreg $0xC0  }
0xab: {  	_ =	task [dreg:s7], $0x5FFFF  }
0xac: {  	[dreg:$0x1] =	wrdreg $0xFFFFFFFF  }
0xad: {  	[dreg:$0x0] =	wrdreg $0x60  }
0xae: {  	[dreg:$0x2] =	wrdreg s24  }
0xaf: {  	[dreg:$0x3] =	wrdreg s2  }
0xb0: {  	[dreg:$0x4] =	wrdreg $0x9  }
0xb1: {  	_ =	task.clear_ibuf [dreg:s7], $0x5FFFF;
	_ =	strace $0x90000049  }
0xb2: {  	s29 =	simm.s32 $0x9;
	_ =	strace $0x8000004B  }
0xb3: {  	_ =	swait.ge [sflag:s29], $0x1  }
0xb4: {  	[sflag:s29] =	ssyncadd.s32 $0xFFFFFFFF  }
0xb5: {  	_ =	strace $0x9000004B  }
0xb6: {  	_ =	sfence  }
0xb7: {  	s30 =	sld [smem:$0x0];
	_ =	sdelay $0x2  }
0xb8: {  	s31 =	sshll.u32 s1, $0xD;
	s1 =	sshrl.u32 s1, $0x2  }
0xb9: {  	s3 =	sand.u32 $0x4000, s31;
	s1 =	sadd.s32 s1, s30  }
0xba: {  	s0 =	sor.u32 s3, s0;
	s1 =	sshll.u32 s1, $0x11  }
0xbb: {  	s0 =	sor.u32 s1, s0  }
0xbc: {  	s0 =	sadd.s32 $0x8F2B, s0  }
0xbd: {  	[sflag:s0] =	ssyncadd.remote.s32 $0x1  }
0xbe: {  	_ =	sfence.sel $0xFFFF  }
0xbf: {  	[dreg:$0x0] =	wrdreg $0xFFFFFFFF;
	(pc) =	sbr.abs _section_cstart, $3  }
0xc0: {  	[dreg:$0x1] =	wrdreg $0xFFFFFFFF  }
0xc1: {  	_ =	task.clear_ibuf [dreg:s7], $0x2FFFF;
	_ =	strace $0x9FFFFFFF  }
0xc2: {  	(tm) =	ssettm $0x7FFFFFFF  }
0xc3: {  	_ =	shalt  }
tec
execute0_lowered:
.L_overlay_start_1:
0x0: {  	(tag) =	ssettag $0x1  }
0x1: {  	s0 =	srdreg.scid  }
0x2: {  	s2 =	stileid.u32;
	s1 =	rddreg [dreg:$0x0]  }
0x3: {  	s9 =	simm.s32 $0x40;
	s12 =	simm.s32 $0x8400;
	s13 =	simm.s32 $0x1  }
0x4: {  	s14 =	simm.s32 $0xA400;
	s15 =	simm.s32 $0x9400;
	s16 =	simm.s32 $0x2  }
0x5: {  	s17 =	simm.s32 $0xB400;
	s18 =	simm.s32 $0x5;
	s19 =	simm.s32 $0x3  }
0x6: {  	s20 =	simm.s32 $0xC400;
	s21 =	simm.s32 $0x6;
	s22 =	simm.s32 $0x4  }
0x7: {  	s23 =	simm.s32 $0xD400;
	s0 =	sand.u32 $0x1, s0;
	s3 =	sshll.u32 s2, $0x1  }
0x8: {  	s25 =	simm.s32 $0x8;
	s5 =	sor.u32 s0, s3;
	s0 =	ssub.s32 $0x2, s0  }
0x9: {  	s26 =	simm.s32 $0x0;
	s4 =	smul.u32 $0xC80, s5;
	s7 =	sshrl.u32 s0, $0x1  }
0xa: {  	s2 =	rddreg [dreg:$0x1];
	s3 =	simm.s32 $0x0;
	s0 =	ssub.s32 s0, s7  }
0xb: {  	[smem:$0x7FF] =	sst s3;
	s6 =	sadd.s32 s4, s1;
	s0 =	smax.u32 s0, $0x1  }
0xc: {  	_ =	strace $0x8000004A;
	s31 =	sadd.s32 $0xF43600, s6;
	[dreg:$0x4] =	wrdreg s0  }
0xd: {  	s4 =	sadd.s32 $0xF5C600, s1;
	s6 =	sshll.u32 s5, $0x4;
	[dreg:$0x3] =	wrdreg s31  }
.LBB2_1:
0xe: {  	s0 =	rddreg [dreg:$0x3];
	s29 =	simm.s32 $0x9  }
0xf: {  	[tilespmem:s3], [sflag:$0x9] =	stream.linear.gather [hbm4b:s0+s3], $0x6400, $0x38;
	[tilespmem:$0xE400] =	vst v63  }
0x10: {  	_ =	swait.ge [sflag:s29], $0x6400  }
0x11: {  	[sflag:s29] =	ssyncset.done $0x0  }
0x12: {  	s30 =	simm.s32 $0x6400;
	[sflag:s29] =	ssyncadd.s32 $0xFFFF9C00  }
0x13: {  	[tilespmem:s30], [sflag:$0x1] =	stream.indirect.gather [hbm4b:s4+s9], $0x40, s3, s9, $0xb8;
	[tilespmem:$0xE400] =	vst v63  }
0x14: {  	s31 =	simm.s32 $0x7400;
	s28 =	simm.s32 $0x0  }
0x15: {  	[tilespmem:s31], [sflag:$0x2] =	stream.indirect.gather [hbm4b:s4+s9], $0x40, s9, s9, $0xb8;
	[tilespmem:$0xE400] =	vst v63  }
.LBB2_2:
0x16: {  	p0 =	seq.s32 s28, $0x0  }
0x17: {  	s31 =	sshll.u32 s28, $0x2;
	s0 =	simm.s32 @!p0 $0x7  }
0x18: {  	s29 =	sor.u32 $0x2, s31;
	_ =	swait.ge @!p0 [sflag:s0], $0x1000  }
0x19: {  	s1 =	sshll.u32 s29, $0x6;
	[sflag:s0] =	ssyncset.done @!p0 $0x0  }
0x1a: {  	s11 =	sand.u32 $0x3FFFFFC0, s1;
	[sflag:s0] =	ssyncadd.s32 @!p0 $0xFFFFF000  }
0x1b: {  	[tilespmem:s12], [sflag:$0x3] =	stream.indirect.gather [hbm4b:s4+s9], $0x40, s11, s9, $0xb8;
	[tilespmem:$0xE400] =	vst v63  }
0x1c: {  	_ =	swait.ge [sflag:s13], $0x1000  }
0x1d: {  	[sflag:s13] =	ssyncset.done $0x0  }
0x1e: {  	s24 =	simm.s32 $0x6420;
	[sflag:s13] =	ssyncadd.s32 $0xFFFFF000  }
0x1f: {  	v0 =	vld [tilespmem:s24+$0xFFFFFFE0];
	_ =	sdelay $0x2  }
0x20: {  	s1 =	simm.s32 $0x0  }
0x21: {  	s5 =	sand.u32 $0xC00, s1;
	s10 =	sand.u32 $0x380, s1  }
0x22: {  	s11 =	sand.u32 $0x40, s1;
	s5 =	sor.u32 s10, s5;
	v0 =	vmul.f32 $8.000000000e+00, v0  }
0x23: {  	s5 =	sor.u32 s11, s5  }
0x24: {  	[tilespmem:s5+$0xA400] =	vst v0  }
0x25: {  	v0 =	vld [tilespmem:s24+$0xFFFFFFF0];
	_ =	sdelay $0x4  }
0x26: {  	v0 =	vmul.f32 $8.000000000e+00, v0;
	_ =	sdelay $0x1  }
0x27: {  	[tilespmem:s5+$0xA410] =	vst v0  }
0x28: {  	v0 =	vld [tilespmem:s24+$0x0];
	_ =	sdelay $0x4  }
0x29: {  	v0 =	vmul.f32 $8.000000000e+00, v0;
	_ =	sdelay $0x1  }
0x2a: {  	[tilespmem:s5+$0xA420] =	vst v0  }
0x2b: {  	v0 =	vld [tilespmem:s24+$0x10];
	_ =	sdelay $0x4  }
0x2c: {  	v0 =	vmul.f32 $8.000000000e+00, v0;
	_ =	sdelay $0x1  }
0x2d: {  	s30 =	simm.s32 $0x6460;
	[tilespmem:s5+$0xA430] =	vst v0  }
0x2e: {  	s0 =	simm.s32 $0x40;
	s10 =	simm.s32 $0x0;
	s11 =	simm.s32 $0x80;
	v0 =	vld [tilespmem:s30+$0xFFFFFFE0]  }
.LBB2_3:
0x2f: {  	p1 =	sne.s32 s11, $0xFC0;
	_ =	sdelay $0x1  }
0x30: {  	s1 =	sadd.s32 $0x10, s1;
	s10 =	sadd.s32 $0x200, s10  }
0x31: {  	s5 =	sand.u32 $0xC00, s10;
	s7 =	sand.u32 $0x380, s1  }
0x32: {  	s8 =	sand.u32 $0x40, s0;
	s0 =	smov.u32 s11;
	s5 =	sor.u32 s7, s5;
	v0 =	vmul.f32 $8.000000000e+00, v0  }
0x33: {  	s5 =	sor.u32 s8, s5  }
0x34: {  	[tilespmem:s5+$0xA400] =	vst v0  }
0x35: {  	v0 =	vld [tilespmem:s30+$0xFFFFFFF0];
	_ =	sdelay $0x4  }
0x36: {  	v0 =	vmul.f32 $8.000000000e+00, v0;
	_ =	sdelay $0x1  }
0x37: {  	[tilespmem:s5+$0xA410] =	vst v0  }
0x38: {  	v0 =	vld [tilespmem:s30+$0x0];
	_ =	sdelay $0x4  }
0x39: {  	v0 =	vmul.f32 $8.000000000e+00, v0;
	_ =	sdelay $0x1  }
0x3a: {  	[tilespmem:s5+$0xA420] =	vst v0  }
0x3b: {  	v0 =	vld [tilespmem:s30+$0x10];
	_ =	sdelay $0x3  }
.Ltmp0:
0x3c: {  	(pc) =	sbr.rel @p1 .LBB2_3-.Ltmp0, $3  }
0x3d: {  	v0 =	vmul.f32 $8.000000000e+00, v0;
	_ =	sdelay $0x1  }
0x3e: {  	s30 =	sadd.s32 $0x40, s30;
	[tilespmem:s5+$0xA430] =	vst v0  }
0x3f: {  	s11 =	sadd.s32 $0x40, s11;
	v0 =	vld [tilespmem:s30+$0xFFFFFFE0]  }
0x40: {  	_ =	sdelay $0x1  }
0x41: {  	s1 =	sadd.s32 $0x10, s1;
	s5 =	sadd.s32 $0x200, s10  }
0x42: {  	s5 =	sand.u32 $0xC00, s5;
	s1 =	sand.u32 $0x380, s1  }
0x43: {  	s0 =	sand.u32 $0x40, s0;
	s1 =	sor.u32 s1, s5;
	v0 =	vmul.f32 $8.000000000e+00, v0  }
0x44: {  	s0 =	sor.u32 s0, s1  }
0x45: {  	[tilespmem:s0+$0xA400] =	vst v0  }
0x46: {  	v0 =	vld [tilespmem:s30+$0xFFFFFFF0];
	_ =	sdelay $0x4  }
0x47: {  	v0 =	vmul.f32 $8.000000000e+00, v0;
	_ =	sdelay $0x1  }
0x48: {  	[tilespmem:s0+$0xA410] =	vst v0  }
0x49: {  	v0 =	vld [tilespmem:s30+$0x0];
	_ =	sdelay $0x4  }
0x4a: {  	v0 =	vmul.f32 $8.000000000e+00, v0  }
0x4b: {  	s11 =	smulhi.u32 $0x51EB851F, s31  }
0x4c: {  	[tilespmem:s0+$0xA420] =	vst v0  }
0x4d: {  	s1 =	sshrl.u32 s11, $0x3;
	v0 =	vld [tilespmem:s30+$0x10]  }
0x4e: {  	s24 =	smul.u32 $0x19, s1  }
0x4f: {  	s1 =	sadd.s32 s6, s1  }
0x50: {  	s1 =	smul.u32 $0x19000, s1;
	s5 =	ssub.s32 s31, s24  }
0x51: {  	s5 =	sshll.u32 s5, $0xC  }
0x52: {  	s1 =	sadd.s32 s5, s1;
	v0 =	vmul.f32 $8.000000000e+00, v0  }
0x53: {  	s1 =	sshrl.u32 s1, $0x3  }
0x54: {  	s7 =	sadd.s32 s2, s1;
	[tilespmem:s0+$0xA430] =	vst v0;
	s0 =	simm.s32 @!p0 $0x8  }
0x55: {  	[hbm4b:s7+s3] =	stream.linear.scatter [tilespmem:s14], [sflag:$0x5], $0x1000, $0x38;
	[tilespmem:$0xE400] =	vst v63  }
0x56: {  	s30 =	sor.u32 $0x3, s31;
	_ =	swait.ge @!p0 [sflag:s0], $0x1000  }
0x57: {  	s8 =	sshll.u32 s30, $0x6;
	[sflag:s0] =	ssyncset.done @!p0 $0x0  }
0x58: {  	s10 =	sand.u32 $0x3FFFFFC0, s8;
	[sflag:s0] =	ssyncadd.s32 @!p0 $0xFFFFF000  }
0x59: {  	[tilespmem:s15], [sflag:$0x4] =	stream.indirect.gather [hbm4b:s4+s9], $0x40, s10, s9, $0xb8;
	[tilespmem:$0xE400] =	vst v63  }
0x5a: {  	_ =	swait.ge [sflag:s16], $0x1000  }
0x5b: {  	[sflag:s16] =	ssyncset.done $0x0  }
0x5c: {  	s11 =	simm.s32 $0x7420;
	[sflag:s16] =	ssyncadd.s32 $0xFFFFF000  }
0x5d: {  	v0 =	vld [tilespmem:s11+$0xFFFFFFE0];
	_ =	sdelay $0x2  }
0x5e: {  	s1 =	simm.s32 $0x0  }
0x5f: {  	s24 =	sand.u32 $0xC00, s1;
	s7 =	sand.u32 $0x380, s1  }
0x60: {  	s8 =	sand.u32 $0x40, s1;
	s5 =	sor.u32 s7, s24;
	v0 =	vmul.f32 $8.000000000e+00, v0  }
0x61: {  	s5 =	sor.u32 s8, s5  }
0x62: {  	[tilespmem:s5+$0xB400] =	vst v0  }
0x63: {  	v0 =	vld [tilespmem:s11+$0xFFFFFFF0];
	_ =	sdelay $0x4  }
0x64: {  	v0 =	vmul.f32 $8.000000000e+00, v0;
	_ =	sdelay $0x1  }
0x65: {  	[tilespmem:s5+$0xB410] =	vst v0  }
0x66: {  	v0 =	vld [tilespmem:s11+$0x0];
	_ =	sdelay $0x4  }
0x67: {  	v0 =	vmul.f32 $8.000000000e+00, v0;
	_ =	sdelay $0x1  }
0x68: {  	[tilespmem:s5+$0xB420] =	vst v0  }
0x69: {  	v0 =	vld [tilespmem:s11+$0x10];
	_ =	sdelay $0x4  }
0x6a: {  	v0 =	vmul.f32 $8.000000000e+00, v0;
	_ =	sdelay $0x1  }
0x6b: {  	s31 =	sor.u32 $0x1, s31;
	s0 =	simm.s32 $0x7460;
	[tilespmem:s5+$0xB430] =	vst v0  }
0x6c: {  	s10 =	simm.s32 $0x40;
	s11 =	simm.s32 $0x0;
	s5 =	simm.s32 $0x80;
	v0 =	vld [tilespmem:s0+$0xFFFFFFE0]  }
.LBB2_5:
0x6d: {  	p0 =	sne.s32 s5, $0xFC0;
	_ =	sdelay $0x1  }
0x6e: {  	s1 =	sadd.s32 $0x10, s1;
	s11 =	sadd.s32 $0x200, s11  }
0x6f: {  	s7 =	sand.u32 $0xC00, s11;
	s8 =	sand.u32 $0x380, s1  }
0x70: {  	s24 =	sand.u32 $0x40, s10;
	s10 =	smov.u32 s5;
	s7 =	sor.u32 s8, s7;
	v0 =	vmul.f32 $8.000000000e+00, v0  }
0x71: {  	s7 =	sor.u32 s24, s7  }
0x72: {  	[tilespmem:s7+$0xB400] =	vst v0  }
0x73: {  	v0 =	vld [tilespmem:s0+$0xFFFFFFF0];
	_ =	sdelay $0x4  }
0x74: {  	v0 =	vmul.f32 $8.000000000e+00, v0;
	_ =	sdelay $0x1  }
0x75: {  	[tilespmem:s7+$0xB410] =	vst v0  }
0x76: {  	v0 =	vld [tilespmem:s0+$0x0];
	_ =	sdelay $0x4  }
0x77: {  	v0 =	vmul.f32 $8.000000000e+00, v0;
	_ =	sdelay $0x1  }
0x78: {  	[tilespmem:s7+$0xB420] =	vst v0  }
0x79: {  	v0 =	vld [tilespmem:s0+$0x10];
	_ =	sdelay $0x3  }
.Ltmp1:
0x7a: {  	(pc) =	sbr.rel @p0 .LBB2_5-.Ltmp1, $3  }
0x7b: {  	v0 =	vmul.f32 $8.000000000e+00, v0;
	_ =	sdelay $0x1  }
0x7c: {  	s0 =	sadd.s32 $0x40, s0;
	[tilespmem:s7+$0xB430] =	vst v0  }
0x7d: {  	s5 =	sadd.s32 $0x40, s5;
	v0 =	vld [tilespmem:s0+$0xFFFFFFE0]  }
0x7e: {  	_ =	sdelay $0x1  }
0x7f: {  	s1 =	sadd.s32 $0x10, s1;
	s5 =	sadd.s32 $0x200, s11  }
0x80: {  	s5 =	sand.u32 $0xC00, s5;
	s1 =	sand.u32 $0x380, s1  }
0x81: {  	s7 =	sand.u32 $0x40, s10;
	s1 =	sor.u32 s1, s5;
	v0 =	vmul.f32 $8.000000000e+00, v0  }
0x82: {  	s1 =	sor.u32 s7, s1  }
0x83: {  	[tilespmem:s1+$0xB400] =	vst v0  }
0x84: {  	v0 =	vld [tilespmem:s0+$0xFFFFFFF0];
	_ =	sdelay $0x4  }
0x85: {  	v0 =	vmul.f32 $8.000000000e+00, v0;
	_ =	sdelay $0x1  }
0x86: {  	[tilespmem:s1+$0xB410] =	vst v0  }
0x87: {  	v0 =	vld [tilespmem:s0+$0x0];
	_ =	sdelay $0x4  }
0x88: {  	v0 =	vmul.f32 $8.000000000e+00, v0  }
0x89: {  	s7 =	smulhi.u32 $0x51EB851F, s31  }
0x8a: {  	[tilespmem:s1+$0xB420] =	vst v0  }
0x8b: {  	s8 =	sshrl.u32 s7, $0x3;
	v0 =	vld [tilespmem:s0+$0x10]  }
0x8c: {  	s5 =	smul.u32 $0x19, s8  }
0x8d: {  	s0 =	sadd.s32 s6, s8  }
0x8e: {  	s5 =	ssub.s32 s31, s5;
	s0 =	smul.u32 $0x19000, s0  }
0x8f: {  	s5 =	sshll.u32 s5, $0xC  }
0x90: {  	s0 =	sadd.s32 s5, s0;
	v0 =	vmul.f32 $8.000000000e+00, v0  }
0x91: {  	s0 =	sshrl.u32 s0, $0x3  }
0x92: {  	p0 =	seq.s32 s28, $0x63;
	s0 =	sadd.s32 s2, s0;
	[tilespmem:s1+$0xB430] =	vst v0  }
0x93: {  	[hbm4b:s0+s3] =	stream.linear.scatter [tilespmem:s17], [sflag:$0x6], $0x1000, $0x38;
	[tilespmem:$0xE400] =	vst v63  }
0x94: {  	s0 =	sshll.u32 @!p0 s28, $0x8;
	_ =	swait.ge [sflag:s18], $0x1000  }
0x95: {  	s5 =	simm.s32 @!p0 $0x6400;
	s31 =	sand.u32 @!p0 $0x3FFFFF00, s0;
	[sflag:s18] =	ssyncset.done $0x0  }
0x96: {  	s1 =	simm.s32 @!p0 $0x40;
	s0 =	sadd.s32 @!p0 $0x100, s31;
	[sflag:s18] =	ssyncadd.s32 $0xFFFFF000  }
0x97: {  	[tilespmem:s5], [sflag:$0x1] =	stream.indirect.gather @!p0 [hbm4b:s4+s1], $0x40, s0, s1, $0xb8;
	[tilespmem:$0xE400] =	vst v63  }
0x98: {  	_ =	swait.ge [sflag:s19], $0x1000  }
0x99: {  	[sflag:s19] =	ssyncset.done $0x0  }
0x9a: {  	s10 =	simm.s32 $0x8420;
	[sflag:s19] =	ssyncadd.s32 $0xFFFFF000  }
0x9b: {  	v0 =	vld [tilespmem:s10+$0xFFFFFFE0];
	_ =	sdelay $0x2  }
0x9c: {  	s1 =	simm.s32 $0x0  }
0x9d: {  	s11 =	sand.u32 $0xC00, s1;
	s24 =	sand.u32 $0x380, s1  }
0x9e: {  	s8 =	sand.u32 $0x40, s1;
	s5 =	sor.u32 s24, s11;
	v0 =	vmul.f32 $8.000000000e+00, v0  }
0x9f: {  	s5 =	sor.u32 s8, s5  }
0xa0: {  	[tilespmem:s5+$0xC400] =	vst v0  }
0xa1: {  	v0 =	vld [tilespmem:s10+$0xFFFFFFF0];
	_ =	sdelay $0x4  }
0xa2: {  	v0 =	vmul.f32 $8.000000000e+00, v0;
	_ =	sdelay $0x1  }
0xa3: {  	[tilespmem:s5+$0xC410] =	vst v0  }
0xa4: {  	v0 =	vld [tilespmem:s10+$0x0];
	_ =	sdelay $0x4  }
0xa5: {  	v0 =	vmul.f32 $8.000000000e+00, v0;
	_ =	sdelay $0x1  }
0xa6: {  	[tilespmem:s5+$0xC420] =	vst v0  }
0xa7: {  	v0 =	vld [tilespmem:s10+$0x10];
	_ =	sdelay $0x4  }
0xa8: {  	v0 =	vmul.f32 $8.000000000e+00, v0;
	_ =	sdelay $0x1  }
0xa9: {  	s0 =	simm.s32 $0x8460;
	[tilespmem:s5+$0xC430] =	vst v0  }
0xaa: {  	s11 =	simm.s32 $0x0;
	s10 =	simm.s32 $0x40;
	s5 =	simm.s32 $0x80;
	v0 =	vld [tilespmem:s0+$0xFFFFFFE0]  }
.LBB2_7:
0xab: {  	p1 =	sne.s32 s5, $0xFC0;
	_ =	sdelay $0x1  }
0xac: {  	s1 =	sadd.s32 $0x10, s1;
	s11 =	sadd.s32 $0x200, s11  }
0xad: {  	s7 =	sand.u32 $0xC00, s11;
	s8 =	sand.u32 $0x380, s1  }
0xae: {  	s24 =	sand.u32 $0x40, s10;
	s10 =	smov.u32 s5;
	s7 =	sor.u32 s8, s7;
	v0 =	vmul.f32 $8.000000000e+00, v0  }
0xaf: {  	s7 =	sor.u32 s24, s7  }
0xb0: {  	[tilespmem:s7+$0xC400] =	vst v0  }
0xb1: {  	v0 =	vld [tilespmem:s0+$0xFFFFFFF0];
	_ =	sdelay $0x4  }
0xb2: {  	v0 =	vmul.f32 $8.000000000e+00, v0;
	_ =	sdelay $0x1  }
0xb3: {  	[tilespmem:s7+$0xC410] =	vst v0  }
0xb4: {  	v0 =	vld [tilespmem:s0+$0x0];
	_ =	sdelay $0x4  }
0xb5: {  	v0 =	vmul.f32 $8.000000000e+00, v0;
	_ =	sdelay $0x1  }
0xb6: {  	[tilespmem:s7+$0xC420] =	vst v0  }
0xb7: {  	v0 =	vld [tilespmem:s0+$0x10];
	_ =	sdelay $0x3  }
.Ltmp2:
0xb8: {  	(pc) =	sbr.rel @p1 .LBB2_7-.Ltmp2, $3  }
0xb9: {  	v0 =	vmul.f32 $8.000000000e+00, v0;
	_ =	sdelay $0x1  }
0xba: {  	s0 =	sadd.s32 $0x40, s0;
	[tilespmem:s7+$0xC430] =	vst v0  }
0xbb: {  	s5 =	sadd.s32 $0x40, s5;
	v0 =	vld [tilespmem:s0+$0xFFFFFFE0]  }
0xbc: {  	_ =	sdelay $0x1  }
0xbd: {  	s1 =	sadd.s32 $0x10, s1;
	s5 =	sadd.s32 $0x200, s11  }
0xbe: {  	s5 =	sand.u32 $0xC00, s5;
	s1 =	sand.u32 $0x380, s1  }
0xbf: {  	s7 =	sand.u32 $0x40, s10;
	s1 =	sor.u32 s1, s5;
	v0 =	vmul.f32 $8.000000000e+00, v0  }
0xc0: {  	s1 =	sor.u32 s7, s1  }
0xc1: {  	[tilespmem:s1+$0xC400] =	vst v0  }
0xc2: {  	v0 =	vld [tilespmem:s0+$0xFFFFFFF0];
	_ =	sdelay $0x4  }
0xc3: {  	v0 =	vmul.f32 $8.000000000e+00, v0;
	_ =	sdelay $0x1  }
0xc4: {  	[tilespmem:s1+$0xC410] =	vst v0  }
0xc5: {  	v0 =	vld [tilespmem:s0+$0x0];
	_ =	sdelay $0x4  }
0xc6: {  	v0 =	vmul.f32 $8.000000000e+00, v0  }
0xc7: {  	s10 =	smulhi.u32 $0x51EB851F, s29  }
0xc8: {  	[tilespmem:s1+$0xC420] =	vst v0  }
0xc9: {  	s11 =	sshrl.u32 s10, $0x3;
	v0 =	vld [tilespmem:s0+$0x10]  }
0xca: {  	s5 =	smul.u32 $0x19, s11  }
0xcb: {  	s0 =	sadd.s32 s6, s11  }
0xcc: {  	s5 =	ssub.s32 s29, s5;
	s0 =	smul.u32 $0x19000, s0  }
0xcd: {  	s5 =	sshll.u32 s5, $0xC  }
0xce: {  	s0 =	sadd.s32 s5, s0;
	v0 =	vmul.f32 $8.000000000e+00, v0  }
0xcf: {  	s0 =	sshrl.u32 s0, $0x3  }
0xd0: {  	s0 =	sadd.s32 s2, s0;
	[tilespmem:s1+$0xC430] =	vst v0  }
0xd1: {  	[hbm4b:s0+s3] =	stream.linear.scatter [tilespmem:s20], [sflag:$0x7], $0x1000, $0x38;
	[tilespmem:$0xE400] =	vst v63  }
0xd2: {  	_ =	swait.ge [sflag:s21], $0x1000  }
0xd3: {  	s5 =	simm.s32 @!p0 $0x7400;
	[sflag:s21] =	ssyncset.done $0x0  }
0xd4: {  	s1 =	simm.s32 @!p0 $0x40;
	s0 =	sadd.s32 @!p0 $0x140, s31;
	[sflag:s21] =	ssyncadd.s32 $0xFFFFF000  }
0xd5: {  	[tilespmem:s5], [sflag:$0x2] =	stream.indirect.gather @!p0 [hbm4b:s4+s1], $0x40, s0, s1, $0xb8;
	[tilespmem:$0xE400] =	vst v63  }
0xd6: {  	_ =	swait.ge [sflag:s22], $0x1000  }
0xd7: {  	[sflag:s22] =	ssyncset.done $0x0  }
0xd8: {  	s24 =	simm.s32 $0x9420;
	[sflag:s22] =	ssyncadd.s32 $0xFFFFF000  }
0xd9: {  	v0 =	vld [tilespmem:s24+$0xFFFFFFE0];
	_ =	sdelay $0x2  }
0xda: {  	s1 =	simm.s32 $0x0  }
0xdb: {  	s29 =	sand.u32 $0xC00, s1;
	s31 =	sand.u32 $0x380, s1  }
0xdc: {  	s8 =	sand.u32 $0x40, s1;
	s5 =	sor.u32 s31, s29;
	v0 =	vmul.f32 $8.000000000e+00, v0  }
0xdd: {  	s5 =	sor.u32 s8, s5  }
0xde: {  	[tilespmem:s5+$0xD400] =	vst v0  }
0xdf: {  	v0 =	vld [tilespmem:s24+$0xFFFFFFF0];
	_ =	sdelay $0x4  }
0xe0: {  	v0 =	vmul.f32 $8.000000000e+00, v0;
	_ =	sdelay $0x1  }
0xe1: {  	[tilespmem:s5+$0xD410] =	vst v0  }
0xe2: {  	v0 =	vld [tilespmem:s24+$0x0];
	_ =	sdelay $0x4  }
0xe3: {  	v0 =	vmul.f32 $8.000000000e+00, v0;
	_ =	sdelay $0x1  }
0xe4: {  	[tilespmem:s5+$0xD420] =	vst v0  }
0xe5: {  	v0 =	vld [tilespmem:s24+$0x10];
	_ =	sdelay $0x4  }
0xe6: {  	v0 =	vmul.f32 $8.000000000e+00, v0;
	_ =	sdelay $0x1  }
0xe7: {  	s0 =	simm.s32 $0x9460;
	[tilespmem:s5+$0xD430] =	vst v0  }
0xe8: {  	s10 =	simm.s32 $0x40;
	s11 =	simm.s32 $0x0;
	s5 =	simm.s32 $0x80;
	v0 =	vld [tilespmem:s0+$0xFFFFFFE0]  }
.LBB2_9:
0xe9: {  	p0 =	sne.s32 s5, $0xFC0;
	_ =	sdelay $0x1  }
0xea: {  	s1 =	sadd.s32 $0x10, s1;
	s11 =	sadd.s32 $0x200, s11  }
0xeb: {  	s7 =	sand.u32 $0xC00, s11;
	s8 =	sand.u32 $0x380, s1  }
0xec: {  	s24 =	sand.u32 $0x40, s10;
	s10 =	smov.u32 s5;
	s7 =	sor.u32 s8, s7;
	v0 =	vmul.f32 $8.000000000e+00, v0  }
0xed: {  	s7 =	sor.u32 s24, s7  }
0xee: {  	[tilespmem:s7+$0xD400] =	vst v0  }
0xef: {  	v0 =	vld [tilespmem:s0+$0xFFFFFFF0];
	_ =	sdelay $0x4  }
0xf0: {  	v0 =	vmul.f32 $8.000000000e+00, v0;
	_ =	sdelay $0x1  }
0xf1: {  	[tilespmem:s7+$0xD410] =	vst v0  }
0xf2: {  	v0 =	vld [tilespmem:s0+$0x0];
	_ =	sdelay $0x4  }
0xf3: {  	v0 =	vmul.f32 $8.000000000e+00, v0;
	_ =	sdelay $0x1  }
0xf4: {  	[tilespmem:s7+$0xD420] =	vst v0  }
0xf5: {  	v0 =	vld [tilespmem:s0+$0x10];
	_ =	sdelay $0x3  }
.Ltmp3:
0xf6: {  	(pc) =	sbr.rel @p0 .LBB2_9-.Ltmp3, $3  }
0xf7: {  	v0 =	vmul.f32 $8.000000000e+00, v0;
	_ =	sdelay $0x1  }
0xf8: {  	s0 =	sadd.s32 $0x40, s0;
	[tilespmem:s7+$0xD430] =	vst v0  }
0xf9: {  	s5 =	sadd.s32 $0x40, s5;
	v0 =	vld [tilespmem:s0+$0xFFFFFFE0]  }
0xfa: {  	_ =	sdelay $0x1  }
0xfb: {  	s1 =	sadd.s32 $0x10, s1;
	s5 =	sadd.s32 $0x200, s11  }
0xfc: {  	s5 =	sand.u32 $0xC00, s5;
	s1 =	sand.u32 $0x380, s1  }
0xfd: {  	s7 =	sand.u32 $0x40, s10;
	s1 =	sor.u32 s1, s5;
	v0 =	vmul.f32 $8.000000000e+00, v0  }
0xfe: {  	s1 =	sor.u32 s7, s1  }
0xff: {  	[tilespmem:s1+$0xD400] =	vst v0  }
0x100: {  	v0 =	vld [tilespmem:s0+$0xFFFFFFF0];
	_ =	sdelay $0x4  }
0x101: {  	v0 =	vmul.f32 $8.000000000e+00, v0;
	_ =	sdelay $0x1  }
0x102: {  	[tilespmem:s1+$0xD410] =	vst v0  }
0x103: {  	v0 =	vld [tilespmem:s0+$0x0];
	_ =	sdelay $0x4  }
0x104: {  	v0 =	vmul.f32 $8.000000000e+00, v0  }
0x105: {  	s29 =	smulhi.u32 $0x51EB851F, s30  }
0x106: {  	[tilespmem:s1+$0xD420] =	vst v0  }
0x107: {  	s31 =	sshrl.u32 s29, $0x3;
	v0 =	vld [tilespmem:s0+$0x10]  }
0x108: {  	s5 =	smul.u32 $0x19, s31  }
0x109: {  	s28 =	sadd.s32 $0x1, s28;
	s0 =	sadd.s32 s6, s31  }
0x10a: {  	p0 =	sne.s32 s28, $0x64;
	s5 =	ssub.s32 s30, s5;
	s0 =	smul.u32 $0x19000, s0  }
.Ltmp4:
0x10b: {  	s5 =	sshll.u32 s5, $0xC;
	(pc) =	sbr.rel @p0 .LBB2_2-.Ltmp4, $4  }
0x10c: {  	s0 =	sadd.s32 s5, s0;
	v0 =	vmul.f32 $8.000000000e+00, v0  }
0x10d: {  	s0 =	sshrl.u32 s0, $0x3  }
0x10e: {  	s0 =	sadd.s32 s2, s0;
	[tilespmem:s1+$0xD430] =	vst v0  }
0x10f: {  	[hbm4b:s0+s3] =	stream.linear.scatter [tilespmem:s23], [sflag:$0x8], $0x1000, $0x38;
	[tilespmem:$0xE400] =	vst v63  }
0x110: {  	s0 =	simm.s32 $0x7  }
0x111: {  	_ =	swait.ge [sflag:s0], $0x1000  }
0x112: {  	[sflag:s0] =	ssyncset.done $0x0  }
0x113: {  	[sflag:s0] =	ssyncadd.s32 $0xFFFFF000  }
0x114: {  	_ =	swait.ge [sflag:s25], $0x1000  }
0x115: {  	s26 =	sadd.s32 $0x1, s26;
	s31 =	rddreg [dreg:$0x4]  }
0x116: {  	p0 =	sne.s32 s26, s31  }
.Ltmp5:
0x117: {  	_ = 	snop;
	(pc) =	sbr.rel @p0 .LBB2_1-.Ltmp5, $3  }
0x118: {  	_ =	sdelay $0x1  }
0x119: {  	[sflag:s25] =	ssyncset.done $0x0  }
0x11a: {  	[sflag:s25] =	ssyncadd.s32 $0xFFFFF000  }
0x11b: {  	_ =	sfence.sel $0x180000  }
0x11c: {  	[bflag:$0x0] =	sbarrier.arrive $0xFFFF  }
0x11d: {  	_ =	strace $0x9000004A  }
0x11e: {  	s0 =	stileid.u32;
	[bflag:$0x2] =	sbarrier.arrive $0xFFFF  }
0x11f: {  	p0 =	sne.s32 s0, $0x0;
	s0 =	rddreg [dreg:$0x2]  }
0x120: {  	s0 =	sadd.s32 @!p0 $0x100000, s0  }
0x121: {  	[sflag:s0] =	ssyncadd.tile.s32 @!p0 $0x1;
	_ =	shalt  }
.Lfunc_end2:
_tile_overlayer_lowered:
.L_overlay_start_2:
0x122: {  	(tag) =	ssettag $0x2  }
0x123: {  	s0 =	rddreg [dreg:$0x0];
	s2 =	stileid.u32  }
0x124: {  	s1 =	rddreg [dreg:$0x1];
	p0 =	sne.s32 s2, $0x0  }
0x125: {  	s3 =	rddreg [dreg:$0x2];
	[bflag:$0x3] =	sbarrier.arrive $0xFFFF;
	s2 =	simm.s32 @!p0 $0x1C09  }
0x126: {  	[timem:s3], [sflag:s2] =	dma.local @!p0 [hbm:s0], s1  }
0x127: {  	s0 =	simm.s32 @!p0 $0x9  }
0x128: {  	_ =	swait.ge @!p0 [sflag:s0], s1  }
0x129: {  	s1 =	ssub.s32 @!p0 $0x0, s1;
	[sflag:s0] =	ssyncset.done @!p0 $0x0  }
0x12a: {  	[sflag:s0] =	ssyncadd.s32 @!p0 s1  }
0x12b: {  	[bflag:$0x3] =	sbarrier.arrive $0xFFFF  }
0x12c: {  	_ =	shalt  }

// kernel: sparse-core-data-format-call.1.cloned.1.call-start
scs
called_computation.1_lowered:
.L_overlay_start_0:
0x0: {  	s2 =	sld [smem:$0x3FD9]  }
0x1: {  	s3 =	sld [smem:$0x3FFE];
	_ =	sdelay $0x1  }
0x2: {  	s1 =	srdreg.scid  }
0x3: {  	s0 =	sand.u32 $0x1, s1  }
0x4: {  	s18 =	sshll.u32 s0, $0xA;
	s2 =	sadd.s32 s3, s2  }
0x5: {  	s2 =	sadd.s32 s2, s18  }
0x6: {  	[smem:$0x3FC6] =	sst s2  }
0x7: {  	_ = 	snop  }
0x8: {  	s2 =	sld [smem:$0x3FD0];
	(tm) =	ssettm $0x1  }
0x9: {  	s19 =	sld [smem:$0x3FFB];
	_ =	sdelay $0x3  }
0xa: {  	_ =	strace s19  }
0xb: {  	s3 =	sld [smem:$0x3FFC];
	_ =	sdelay $0x3  }
0xc: {  	_ =	strace s3  }
0xd: {  	s3 =	sld [smem:$0x3FFD];
	_ =	sdelay $0x3  }
0xe: {  	_ =	strace s3  }
0xf: {  	_ =	strace $0x8FFFFFFF  }
0x10: {  	s20 =	sld [smem:$0x3FDB];
	_ =	sdelay $0x1  }
0x11: {  	s4 =	simm.s32 $_scs_section_size  }
0x12: {  	s5 =	simm.s32 $_size__tile_overlayer_lowered;
	s6 =	simm.s32 $_tile_overlayer_lowered  }
0x13: {  	s23 =	simm.s32 $0x1BFF;
	s22 =	sshll.u32 s6, $0x1;
	s3 =	sadd.s32 s4, s20  }
0x14: {  	s7 =	simm.s32 $0x0;
	s21 =	sshll.u32 s5, $0x1;
	s5 =	sadd.s32 s22, s3  }
0x15: {  	[timem:s7], [sflag:s23] =	dma.local [hbm:s5], s21  }
0x16: {  	_ =	swait.ge [sflag:s23], s21  }
0x17: {  	s4 =	ssub.s32 $0x0, s21;
	[sflag:s23] =	ssyncset.done $0x0  }
0x18: {  	[sflag:s23] =	ssyncadd.s32 s4;
	_ =	sdelay $0x1  }
0x19: {  	s24 =	simm.s32 $0x1B8B  }
0x1a: {  	_ =	swait.ge [sflag:s24], $0x1  }
0x1b: {  	[sflag:s24] =	ssyncset.done $0x0  }
0x1c: {  	s26 =	simm.s32 $0x1B8E;
	s25 =	sld [smem:$0x3FFE];
	[sflag:s24] =	ssyncadd.s32 $0xFFFFFFFF  }
0x1d: {  	s27 =	simm.s32 $execute0_lowered;
	[smem:$0x3FD2] =	sst s26  }
0x1e: {  	s5 =	sshll.u32 s27, $0x1;
	_ =	strace $0x8000004C;
	[dreg:$0x1] =	wrdreg $0xFFFFFFFF  }
0x1f: {  	s28 =	simm.s32 $_size_execute0_lowered;
	s3 =	sadd.s32 s3, s5;
	[dreg:$0x0] =	wrdreg $0x0  }
0x20: {  	s5 =	sshll.u32 s28, $0x1;
	[dreg:$0x2] =	wrdreg s3  }
0x21: {  	[dreg:$0x3] =	wrdreg s5  }
0x22: {  	[dreg:$0x4] =	wrdreg $0xC0  }
0x23: {  	_ =	task [dreg:s7], $0x5FFFF  }
0x24: {  	[dreg:$0x1] =	wrdreg $0xFFFFFFFF  }
0x25: {  	[dreg:$0x0] =	wrdreg $0x60  }
0x26: {  	[dreg:$0x2] =	wrdreg s2  }
0x27: {  	[dreg:$0x3] =	wrdreg s25  }
0x28: {  	[dreg:$0x4] =	wrdreg $0x9  }
0x29: {  	_ =	task.clear_ibuf [dreg:s7], $0x5FFFF;
	_ =	strace $0x9000004C  }
0x2a: {  	s29 =	simm.s32 $0x9;
	_ =	strace $0x8000004E  }
0x2b: {  	_ =	swait.ge [sflag:s29], $0x1  }
0x2c: {  	[sflag:s29] =	ssyncadd.s32 $0xFFFFFFFF  }
0x2d: {  	_ =	strace $0x9000004E  }
0x2e: {  	_ =	sfence  }
0x2f: {  	s30 =	sld [smem:$0x0];
	_ =	sdelay $0x2  }
0x30: {  	s31 =	sshll.u32 s1, $0xD;
	s1 =	sshrl.u32 s1, $0x2  }
0x31: {  	s3 =	sand.u32 $0x4000, s31;
	s1 =	sadd.s32 s1, s30  }
0x32: {  	s0 =	sor.u32 s3, s0;
	s1 =	sshll.u32 s1, $0x11  }
0x33: {  	s0 =	sor.u32 s1, s0  }
0x34: {  	s0 =	sadd.s32 $0x8F2B, s0  }
0x35: {  	[sflag:s0] =	ssyncadd.remote.s32 $0x1  }
0x36: {  	_ =	sfence.sel $0xFFFF  }
0x37: {  	[dreg:$0x0] =	wrdreg $0xFFFFFFFF;
	(pc) =	sbr.abs _section_cstart, $3  }
0x38: {  	[dreg:$0x1] =	wrdreg $0xFFFFFFFF  }
0x39: {  	_ =	task.clear_ibuf [dreg:s7], $0x2FFFF;
	_ =	strace $0x9FFFFFFF  }
0x3a: {  	(tm) =	ssettm $0x7FFFFFFF  }
0x3b: {  	_ =	shalt  }
tec
execute0_lowered:
.L_overlay_start_1:
0x0: {  	(tag) =	ssettag $0x1  }
0x1: {  	s0 =	srdreg.scid  }
0x2: {  	s1 =	sshll.u32 s0, $0x4  }
0x3: {  	s0 =	stileid.u32;
	s1 =	sand.u32 $0x10, s1  }
0x4: {  	s3 =	rddreg [dreg:$0x0];
	s1 =	sor.u32 s0, s1  }
0x5: {  	s6 =	rddreg [dreg:$0x1];
	s7 =	simm.s32 $0x2;
	s2 =	sshll.u32 s1, $0x2  }
0x6: {  	s14 =	simm.s32 $0x0;
	s8 =	simm.s32 $0x200;
	s1 =	ssub.s32 $0x200, s2  }
0x7: {  	s9 =	simm.s32 $0x3400;
	s10 =	simm.s32 $0x0;
	s4 =	sand.u32 $0x7C, s1  }
0x8: {  	s15 =	simm.s32 $0x0;
	p0 =	sne.s32 s4, $0x0;
	s4 =	simm.s32 $0x1  }
.Ltmp0:
0x9: {  	s5 =	sshrl.u32 s1, $0x7;
	s4 =	simm.s32 @!p0 $0x0;
	(pc) =	sbr.rel .LBB1_1-.Ltmp0, $4  }
0xa: {  	s11 =	simm.s32 $0x0;
	s1 =	rddreg [dreg:$0x2];
	s5 =	sadd.s32 s4, s5  }
0xb: {  	_ =	strace $0x8000004D;
	s4 =	simm.s32 $0x1;
	s5 =	smul.u32 $0x19, s5  }
0xc: {  	s13 =	simm.s32 $0x0;
	s6 =	sadd.s32 $0x1200, s6;
	[sflag:s4] =	ssyncpa.u1 $0x0  }
0xd: {  	s12 =	smov.u32 s2;
	[sflag:s7] =	ssyncpa.u1 $0x0;
	s7 =	sadd.s32 $0x1, s5  }
.LBB1_9:
0xe: {  	s16 =	sadd.s32 $0x4, s11  }
0xf: {  	s14 =	sadd.s32 $0x80, s12;
	s18 =	smov.u32 s12;
	p1 =	sgt.s32 s16, $0x63  }
0x10: {  	s18 =	smov.u32 @p1 s14  }
0x11: {  	s16 =	simm.s32 @p1 $0x0;
	p1 =	sgt.s32 s18, $0x1FF  }
0x12: {  	s18 =	smov.u32 @p1 s2;
	p1 =	sne.s32 s13, s7  }
.Ltmp1:
0x13: {  	p0 =	slt.u32 s13, $0x2;
	(pc) =	sbr.rel @!p1 .LBB1_10-.Ltmp1, $4  }
0x14: {  	s17 =	simm.s32 @!p0 $0x2  }
0x15: {  	s15 =	smov.u32 s12;
	s10 =	sadd.s32 $0x4000, s10;
	_ =	swait.ge @!p0 [sflag:s17], $0x4000  }
0x16: {  	s14 =	smov.u32 s11;
	[sflag:s17] =	ssyncset.done @!p0 $0x0;
	s11 =	smov.u32 s16  }
0x17: {  	s13 =	sadd.s32 $0x1, s13;
	[sflag:s17] =	ssyncadd.s32 @!p0 $0xFFFFC000;
	s12 =	smov.u32 s18  }
.LBB1_1:
0x18: {  	p0 =	sge.u32 s13, s5  }
0x19: {  	s17 =	smul.u32 @!p0 $0x3200, s12  }
0x1a: {  	s31 =	sadd.s32 $0xFFFFFFFF, s13;
	s16 =	sxor.u32 @!p0 $0xFFFFFFFF, s13;
	s18 =	sshll.u32 @!p0 s11, $0x7  }
0x1b: {  	s19 =	simm.s32 @!p0 $0x19000;
	s16 =	sshll.u32 @!p0 s16, $0xE;
	s17 =	sadd.s32 @!p0 s3, s17  }
0x1c: {  	s16 =	sand.u32 @!p0 $0x4000, s16;
	s17 =	sadd.s32 @!p0 s18, s17;
	s18 =	simm.s32 @!p0 $0x1000  }
0x1d: {  	[tilespmem:s16], [sflag:$0x1] =	stream.strided.gather @!p0 [hbm4b:s17+s18], $0x4000, s19, s18, $0x38;
	[tilespmem:$0x10000] =	vst v63  }
0x1e: {  	p0 =	sge.u32 s31, s5  }
.Ltmp2:
0x1f: {  	_ = 	snop;
	(pc) =	sbr.rel @p0 .LBB1_9-.Ltmp2, $1  }
0x20: {  	_ =	sdelay $0x3  }
0x21: {  	s16 =	sand.u32 $0x4000, s10  }
0x22: {  	_ =	swait.ge [sflag:s4], $0x4000;
	s19 =	sshll.u32 s13, $0xE;
	s17 =	sor.u32 $0x40, s16  }
0x23: {  	s18 =	sor.u32 $0x8040, s16;
	[sflag:s4] =	ssyncset.done $0x0;
	s31 =	sand.u32 $0x4000, s19  }
0x24: {  	s19 =	simm.s32 $0x0;
	[sflag:s4] =	ssyncadd.s32 $0xFFFFC000;
	s16 =	sor.u32 $0x8000, s31  }
.LBB1_3:
0x25: {  	s20 =	smov.u32 s18;
	s21 =	smov.u32 s17;
	s22 =	simm.s32 $0x0  }
.LBB1_4:
0x26: {  	v0 =	vmov s20;
	v2 =	vld [tilespmem:s21+$0x30]  }
0x27: {  	v4 =	vld [tilespmem:s21+$0xFFFFFFD0]  }
0x28: {  	v6 =	vld [tilespmem:s21+$0xFFFFFFE0]  }
0x29: {  	v7 =	vld [tilespmem:s21+$0xFFFFFFF0]  }
0x2a: {  	s23 =	simm.s32 $0x0;
	v1 =	vld [tilespmem:s21+$0x0]  }
0x2b: {  	v3 =	vld [tilespmem:s21+$0x10];
	[tilespmem:v0+s23+$0x30 ss:$0x1] =	vst.idx.msk $0xffff, v2  }
0x2c: {  	v5 =	vld [tilespmem:s21+$0x20];
	[tilespmem:v0+s23+$0xFFFFFFD0 ss:$0x1] =	vst.idx.msk $0xffff, v4  }
0x2d: {  	s24 =	sadd.s32 $0x80, s21;
	v2 =	vld [tilespmem:s21+$0xFFFFFFC0];
	[tilespmem:v0+s23+$0xFFFFFFE0 ss:$0x1] =	vst.idx.msk $0xffff, v6  }
0x2e: {  	s25 =	simm.s32 $0x800;
	s26 =	simm.s32 $0x1000;
	v4 =	vld [tilespmem:s24+$0x30];
	[tilespmem:v0+s23+$0xFFFFFFF0 ss:$0x1] =	vst.idx.msk $0xffff, v7  }
.LBB1_5:
0x2f: {  	p0 =	sne.s32 s26, $0x3800;
	v6 =	vld [tilespmem:s24+$0xFFFFFFD0];
	[tilespmem:v0+s23+$0x0 ss:$0x1] =	vst.idx.msk $0xffff, v1  }
0x30: {  	v7 =	vld [tilespmem:s24+$0xFFFFFFE0];
	[tilespmem:v0+s23+$0x10 ss:$0x1] =	vst.idx.msk $0xffff, v3  }
0x31: {  	v8 =	vld [tilespmem:s24+$0xFFFFFFF0];
	[tilespmem:v0+s23+$0x20 ss:$0x1] =	vst.idx.msk $0xffff, v5  }
.Ltmp3:
0x32: {  	v1 =	vld [tilespmem:s24+$0x0];
	[tilespmem:v0+s23+$0xFFFFFFC0 ss:$0x1] =	vst.idx.msk $0xffff, v2;
	s23 =	sshra.s32 s25, $0x2;
	s25 =	smov.u32 s26;
	(pc) =	sbr.rel @p0 .LBB1_5-.Ltmp3, $4  }
0x33: {  	v3 =	vld [tilespmem:s24+$0x10];
	[tilespmem:v0+s23+$0x30 ss:$0x1] =	vst.idx.msk $0xffff, v4  }
0x34: {  	[tilespmem:v0+s23+$0xFFFFFFD0 ss:$0x1] =	vst.idx.msk $0xffff, v6;
	v5 =	vld [tilespmem:s24+$0x20]  }
0x35: {  	v2 =	vld [tilespmem:s24+$0xFFFFFFC0];
	[tilespmem:v0+s23+$0xFFFFFFE0 ss:$0x1] =	vst.idx.msk $0xffff, v7;
	s24 =	sadd.s32 $0x80, s24  }
0x36: {  	s26 =	sadd.s32 $0x800, s26;
	v4 =	vld [tilespmem:s24+$0x30];
	[tilespmem:v0+s23+$0xFFFFFFF0 ss:$0x1] =	vst.idx.msk $0xffff, v8  }
0x37: {  	_ =	sdelay $0x3  }
0x38: {  	v6 =	vld [tilespmem:s24+$0xFFFFFFD0];
	[tilespmem:v0+s23+$0x0 ss:$0x1] =	vst.idx.msk $0xffff, v1  }
0x39: {  	v58 =	vld [tilespmem:s24+$0xFFFFFFE0];
	[tilespmem:v0+s23+$0x10 ss:$0x1] =	vst.idx.msk $0xffff, v3  }
0x3a: {  	v59 =	vld [tilespmem:s24+$0xFFFFFFF0];
	[tilespmem:v0+s23+$0x20 ss:$0x1] =	vst.idx.msk $0xffff, v5  }
0x3b: {  	s25 =	sshra.s32 s25, $0x2;
	v60 =	vld [tilespmem:s24+$0x0];
	[tilespmem:v0+s23+$0xFFFFFFC0 ss:$0x1] =	vst.idx.msk $0xffff, v2  }
0x3c: {  	v61 =	vld [tilespmem:s24+$0x10];
	[tilespmem:v0+s25+$0x30 ss:$0x1] =	vst.idx.msk $0xffff, v4  }
0x3d: {  	v62 =	vld [tilespmem:s24+$0x20];
	s22 =	sadd.s32 $0x1, s22;
	[tilespmem:v0+s25+$0xFFFFFFD0 ss:$0x1] =	vst.idx.msk $0xffff, v6  }
0x3e: {  	v63 =	vld [tilespmem:s24+$0xFFFFFFC0];
	p0 =	sne.s32 s22, $0x4;
	[tilespmem:v0+s25+$0xFFFFFFE0 ss:$0x1] =	vst.idx.msk $0xffff, v58  }
.Ltmp4:
0x3f: {  	[tilespmem:v0+s25+$0xFFFFFFF0 ss:$0x1] =	vst.idx.msk $0xffff, v59;
	(pc) =	sbr.rel @p0 .LBB1_4-.Ltmp4, $4  }
0x40: {  	[tilespmem:v0+s25+$0x0 ss:$0x1] =	vst.idx.msk $0xffff, v60  }
0x41: {  	[tilespmem:v0+s25+$0x10 ss:$0x1] =	vst.idx.msk $0xffff, v61  }
0x42: {  	[tilespmem:v0+s25+$0x20 ss:$0x1] =	vst.idx.msk $0xffff, v62  }
0x43: {  	s21 =	sadd.s32 $0x400, s21;
	s20 =	sadd.s32 $0x80, s20;
	[tilespmem:v0+s25+$0xFFFFFFC0 ss:$0x1] =	vst.idx.msk $0xffff, v63  }
0x44: {  	s19 =	sadd.s32 $0x1, s19  }
0x45: {  	p0 =	sne.s32 s19, $0x4  }
.Ltmp5:
0x46: {  	_ = 	snop;
	(pc) =	sbr.rel @p0 .LBB1_3-.Ltmp5, $2  }
0x47: {  	_ =	sdelay $0x2  }
0x48: {  	s17 =	sadd.s32 $0x1000, s17;
	s18 =	sadd.s32 $0x1000, s18  }
0x49: {  	s14 =	sand.u32 $0x1FFFFFF, s14  }
0x4a: {  	s17 =	smulhi.u32 $0x2762763, s14  }
0x4b: {  	s15 =	smul.u32 $0x3400, s15  }
0x4c: {  	s17 =	smul.u32 $0x68, s17  }
.Ltmp6:
0x4d: {  	_ = 	snop;
	(pc) =	sbr.rel .LBB1_9-.Ltmp6, $4  }
0x4e: {  	s14 =	ssub.s32 s14, s17  }
0x4f: {  	s15 =	sadd.s32 s6, s15;
	s14 =	sshll.u32 s14, $0x4  }
0x50: {  	s14 =	sadd.s32 s14, s15  }
0x51: {  	[hbm4b:s14+s8] =	stream.strided.scatter [tilespmem:s16], [sflag:$0x2], $0x4000, s9, s8, $0x38;
	[tilespmem:$0x10000] =	vst v63  }
.LBB1_10:
0x52: {  	_ =	sfence.sel $0x180000  }
0x53: {  	s2 =	simm.s32 $0x1;
	[bflag:$0x0] =	sbarrier.arrive $0xFFFF  }
0x54: {  	s31 =	simm.s32 $0x2;
	[sflag:s2] =	ssyncpa.u1 $0x1  }
0x55: {  	[sflag:s31] =	ssyncpa.u1 $0x1  }
0x56: {  	p0 =	sne.s32 s0, $0x0;
	_ =	strace $0x9000004D  }
0x57: {  	s0 =	sadd.s32 @!p0 $0x100000, s1;
	[bflag:$0x2] =	sbarrier.arrive $0xFFFF  }
0x58: {  	[sflag:s0] =	ssyncadd.tile.s32 @!p0 $0x1;
	_ =	shalt  }
.Lfunc_end1:
_tile_overlayer_lowered:
.L_overlay_start_2:
0x59: {  	(tag) =	ssettag $0x2  }
0x5a: {  	s0 =	rddreg [dreg:$0x0];
	s2 =	stileid.u32  }
0x5b: {  	s1 =	rddreg [dreg:$0x1];
	p0 =	sne.s32 s2, $0x0  }
0x5c: {  	s3 =	rddreg [dreg:$0x2];
	[bflag:$0x3] =	sbarrier.arrive $0xFFFF;
	s2 =	simm.s32 @!p0 $0x1C01  }
0x5d: {  	[timem:s3], [sflag:s2] =	dma.local @!p0 [hbm:s0], s1  }
0x5e: {  	s0 =	simm.s32 @!p0 $0x1  }
0x5f: {  	_ =	swait.ge @!p0 [sflag:s0], s1  }
0x60: {  	s1 =	ssub.s32 @!p0 $0x0, s1;
	[sflag:s0] =	ssyncset.done @!p0 $0x0  }
0x61: {  	[sflag:s0] =	ssyncadd.s32 @!p0 s1  }
0x62: {  	[bflag:$0x3] =	sbarrier.arrive $0xFFFF  }
0x63: {  	_ =	shalt  }

// kernel: sparse-core-data-format-call.2.cloned.1.call-start
scs
called_computation.2_lowered:
.L_overlay_start_0:
0x0: {  	s2 =	sld [smem:$0x3FD9]  }
0x1: {  	s3 =	sld [smem:$0x3FFE];
	_ =	sdelay $0x1  }
0x2: {  	s1 =	srdreg.scid  }
0x3: {  	s0 =	sand.u32 $0x1, s1  }
0x4: {  	s18 =	sshll.u32 s0, $0xA;
	s2 =	sadd.s32 s3, s2  }
0x5: {  	s2 =	sadd.s32 s2, s18  }
0x6: {  	[smem:$0x3FC6] =	sst s2  }
0x7: {  	_ = 	snop  }
0x8: {  	s2 =	sld [smem:$0x3FC8];
	(tm) =	ssettm $0x1  }
0x9: {  	s19 =	sld [smem:$0x3FFB];
	_ =	sdelay $0x3  }
0xa: {  	_ =	strace s19  }
0xb: {  	s3 =	sld [smem:$0x3FFC];
	_ =	sdelay $0x3  }
0xc: {  	_ =	strace s3  }
0xd: {  	s3 =	sld [smem:$0x3FFD];
	_ =	sdelay $0x3  }
0xe: {  	_ =	strace s3  }
0xf: {  	_ =	strace $0x8FFFFFFF  }
0x10: {  	s20 =	sld [smem:$0x3FDB];
	_ =	sdelay $0x1  }
0x11: {  	s4 =	simm.s32 $_scs_section_size  }
0x12: {  	s5 =	simm.s32 $_size__tile_overlayer_lowered;
	s6 =	simm.s32 $_tile_overlayer_lowered  }
0x13: {  	s23 =	simm.s32 $0x1BFF;
	s22 =	sshll.u32 s6, $0x1;
	s3 =	sadd.s32 s4, s20  }
0x14: {  	s7 =	simm.s32 $0x0;
	s21 =	sshll.u32 s5, $0x1;
	s5 =	sadd.s32 s22, s3  }
0x15: {  	[timem:s7], [sflag:s23] =	dma.local [hbm:s5], s21  }
0x16: {  	_ =	swait.ge [sflag:s23], s21  }
0x17: {  	s4 =	ssub.s32 $0x0, s21;
	[sflag:s23] =	ssyncset.done $0x0  }
0x18: {  	[sflag:s23] =	ssyncadd.s32 s4;
	_ =	sdelay $0x1  }
0x19: {  	s24 =	simm.s32 $0x1B8B  }
0x1a: {  	_ =	swait.ge [sflag:s24], $0x1  }
0x1b: {  	[sflag:s24] =	ssyncset.done $0x0  }
0x1c: {  	s26 =	simm.s32 $0x1B8E;
	s25 =	sld [smem:$0x3FFE];
	[sflag:s24] =	ssyncadd.s32 $0xFFFFFFFF  }
0x1d: {  	s27 =	simm.s32 $execute0_lowered;
	[smem:$0x3FD2] =	sst s26  }
0x1e: {  	s5 =	sshll.u32 s27, $0x1;
	_ =	strace $0x80000046;
	[dreg:$0x1] =	wrdreg $0xFFFFFFFF  }
0x1f: {  	s28 =	simm.s32 $_size_execute0_lowered;
	s3 =	sadd.s32 s3, s5;
	[dreg:$0x0] =	wrdreg $0x0  }
0x20: {  	s5 =	sshll.u32 s28, $0x1;
	[dreg:$0x2] =	wrdreg s3  }
0x21: {  	[dreg:$0x3] =	wrdreg s5  }
0x22: {  	[dreg:$0x4] =	wrdreg $0xC0  }
0x23: {  	_ =	task [dreg:s7], $0x5FFFF  }
0x24: {  	[dreg:$0x1] =	wrdreg $0xFFFFFFFF  }
0x25: {  	[dreg:$0x0] =	wrdreg $0x60  }
0x26: {  	[dreg:$0x2] =	wrdreg s2  }
0x27: {  	[dreg:$0x3] =	wrdreg s25  }
0x28: {  	[dreg:$0x4] =	wrdreg $0x9  }
0x29: {  	_ =	task.clear_ibuf [dreg:s7], $0x5FFFF;
	_ =	strace $0x90000046  }
0x2a: {  	s29 =	simm.s32 $0x9;
	_ =	strace $0x80000048  }
0x2b: {  	_ =	swait.ge [sflag:s29], $0x1  }
0x2c: {  	[sflag:s29] =	ssyncadd.s32 $0xFFFFFFFF  }
0x2d: {  	_ =	strace $0x90000048  }
0x2e: {  	_ =	sfence  }
0x2f: {  	s30 =	sld [smem:$0x0];
	_ =	sdelay $0x2  }
0x30: {  	s31 =	sshll.u32 s1, $0xD;
	s1 =	sshrl.u32 s1, $0x2  }
0x31: {  	s3 =	sand.u32 $0x4000, s31;
	s1 =	sadd.s32 s1, s30  }
0x32: {  	s0 =	sor.u32 s3, s0;
	s1 =	sshll.u32 s1, $0x11  }
0x33: {  	s0 =	sor.u32 s1, s0  }
0x34: {  	s0 =	sadd.s32 $0x8F2B, s0  }
0x35: {  	[sflag:s0] =	ssyncadd.remote.s32 $0x1  }
0x36: {  	_ =	sfence.sel $0xFFFF  }
0x37: {  	[dreg:$0x0] =	wrdreg $0xFFFFFFFF;
	(pc) =	sbr.abs _section_cstart, $3  }
0x38: {  	[dreg:$0x1] =	wrdreg $0xFFFFFFFF  }
0x39: {  	_ =	task.clear_ibuf [dreg:s7], $0x2FFFF;
	_ =	strace $0x9FFFFFFF  }
0x3a: {  	(tm) =	ssettm $0x7FFFFFFF  }
0x3b: {  	_ =	shalt  }
tec
execute0_lowered:
.L_overlay_start_1:
0x0: {  	(tag) =	ssettag $0x1  }
0x1: {  	s0 =	srdreg.scid;
	s2 =	rddreg [dreg:$0x0]  }
0x2: {  	s5 =	rddreg [dreg:$0x1];
	s1 =	stileid.u32  }
0x3: {  	s4 =	simm.s32 $0x1;
	s6 =	simm.s32 $0x2;
	s15 =	simm.s32 $0x0  }
0x4: {  	p0 =	por $0x0, $0x0;
	s8 =	simm.s32 $0x80;
	s0 =	sshll.u32 s0, $0x4  }
0x5: {  	s14 =	simm.s32 $0x0;
	s9 =	simm.s32 $0x0;
	s3 =	sand.u32 $0x10, s0  }
.Ltmp0:
0x6: {  	s10 =	simm.s32 $0x0;
	s3 =	sor.u32 s1, s3;
	(pc) =	sbr.rel .LBB1_1-.Ltmp0, $4  }
0x7: {  	s0 =	rddreg [dreg:$0x2];
	_ =	strace $0x80000047;
	s3 =	sshll.u32 s3, $0x7  }
0x8: {  	s12 =	simm.s32 $0x0;
	[sflag:s4] =	ssyncpa.u1 $0x0;
	s7 =	ssub.s32 $0xF4200, s3  }
0x9: {  	s13 =	simm.s32 $0x0;
	[sflag:s6] =	ssyncpa.u1 $0x0;
	s6 =	sshrl.u32 s7, $0xC  }
0xa: {  	s5 =	sadd.s32 $0x1200, s5;
	s11 =	smov.u32 s3;
	s7 =	sadd.s32 $0x2, s6  }
.LBB1_5:
0xb: {  	p1 =	slt.u32 s13, $0x2  }
0xc: {  	s17 =	smov.u32 s15;
	p2 =	sgt.s32 @!p1 s15, $0xF41C0;
	s16 =	sshra.s32 @!p1 s15, $0x1F  }
0xd: {  	p3 =	sgt.s32 @!p1 s14, $0x40;
	s18 =	sshra.s32 @!p1 s14, $0x1F;
	p2 =	por !p2, p1  }
0xe: {  	s15 =	sand.u32 @!p1 s16, s15;
	p3 =	por !p3, p1;
	s16 =	smov.u32 s14  }
0xf: {  	s14 =	sand.u32 @!p1 s18, s14;
	s17 =	simm.s32 @p2 $0xF41C0;
	s16 =	simm.s32 @p3 $0x40  }
0x10: {  	s15 =	ssub.s32 @!p1 s17, s15;
	s14 =	ssub.s32 @!p1 s16, s14  }
0x11: {  	s18 =	smov.u32 s12;
	s16 =	sadd.s32 @!p1 $0xFFF0BE40, s15;
	s17 =	sadd.s32 @!p1 $0xFFFFFFC0, s14  }
0x12: {  	s15 =	ssub.s32 @!p1 $0xF4240, s15;
	p2 =	sgt.s32 @!p1 s16, $0x7F;
	p3 =	sgt.s32 @!p1 s17, $0x3F  }
0x13: {  	s14 =	ssub.s32 @!p1 $0x80, s14;
	p2 =	por !p2, p1;
	p3 =	por !p3, p1  }
0x14: {  	s16 =	sadd.s32 $0x1000, s11;
	s15 =	simm.s32 @!p2 $0x0;
	s14 =	simm.s32 @!p3 $0x0  }
0x15: {  	p2 =	sgt.s32 s16, $0xF423F;
	s14 =	smul.u32 @!p1 s14, s15;
	s15 =	sadd.s32 $0x40, s12  }
0x16: {  	s18 =	smov.u32 @p2 s15  }
0x17: {  	s16 =	smov.u32 @p2 s3;
	p2 =	sgt.s32 s18, $0x3F  }
0x18: {  	s18 =	simm.s32 @p2 $0x0;
	p2 =	sne.s32 s13, s7  }
.Ltmp1:
0x19: {  	p0 =	por !p0, !p0;
	s17 =	simm.s32 @!p1 $0x2;
	(pc) =	sbr.rel @!p2 .LBB1_6-.Ltmp1, $4  }
0x1a: {  	s15 =	smov.u32 s9;
	s9 =	smov.u32 s11;
	s14 =	sand.u32 @!p1 $0x3FFFFFFF, s14  }
0x1b: {  	s11 =	smov.u32 s16;
	_ =	swait.ge @!p1 [sflag:s17], s14;
	s19 =	ssub.s32 @!p1 $0x0, s14  }
0x1c: {  	s14 =	smov.u32 s10;
	s13 =	sadd.s32 $0x1, s13;
	[sflag:s17] =	ssyncset.done @!p1 $0x0  }
0x1d: {  	s10 =	smov.u32 s12;
	s12 =	smov.u32 s18;
	[sflag:s17] =	ssyncadd.s32 @!p1 s19  }
.LBB1_1:
0x1e: {  	p1 =	sgt.u32 s13, s6  }
0x1f: {  	s16 =	sshrl.u32 @!p1 s12, $0x3  }
0x20: {  	s17 =	sshll.u32 @!p1 s11, $0x3;
	s16 =	smul.u32 @!p1 $0x7A1400, s16  }
0x21: {  	s18 =	sshll.u32 @!p1 s12, $0x7;
	s17 =	sand.u32 @!p1 $0xFFFFFC00, s17  }
0x22: {  	s16 =	sadd.s32 @!p1 s16, s17;
	s17 =	sand.u32 @!p1 $0x380, s18  }
0x23: {  	s18 =	sand.u32 @!p1 $0x7F, s11;
	s16 =	sor.u32 @!p1 s17, s16  }
0x24: {  	s17 =	sor.u32 @!p1 s18, s16  }
0x25: {  	s18 =	smulhi.u32 @!p1 $0x218D6287, s17;
	_ =	sdelay $0x1  }
0x26: {  	s16 =	smulhi.u32 @!p1 $0x218D6287, s16;
	s18 =	sshrl.u32 @!p1 s18, $0x11  }
0x27: {  	s18 =	smul.u32 @!p1 $0xF4280, s18  }
0x28: {  	s19 =	sxor.u32 @!p1 $0xFFFFFFFF, s13;
	s16 =	sshrl.u32 @!p1 s16, $0x11  }
0x29: {  	s19 =	sshll.u32 @!p1 s19, $0xD;
	s16 =	sand.u32 @!p1 $0x3F, s16;
	s17 =	ssub.s32 @!p1 s17, s18  }
0x2a: {  	s16 =	smul.u32 @!p1 $0x1E850, s16;
	s18 =	sshrl.u32 @!p1 s17, $0x3;
	s17 =	sand.u32 @!p1 $0x7, s17  }
0x2b: {  	s19 =	sand.u32 @!p1 $0x2000, s19;
	s18 =	sadd.s32 @!p1 s2, s18;
	s17 =	sshll.u32 @!p1 s17, $0x12  }
0x2c: {  	s16 =	sadd.s32 @!p1 s16, s18;
	s17 =	sor.u32 @!p1 $0x400, s17;
	s18 =	simm.s32 @!p1 $0x7A1400  }
0x2d: {  	[tilespmem:s19], [sflag:$0x1] =	stream.strided.gather @!p1 [hbm4b:s16+s17], $0x2000, s18, s17, $0x38;
	[tilespmem:$0x8100] =	vst v63  }
0x2e: {  	p1 =	seq.s32 s13, $0x0  }
0x2f: {  	p2 =	sge.u32 @!p1 s13, s7  }
0x30: {  	p1 =	por p1, p2  }
.Ltmp2:
0x31: {  	_ = 	snop;
	(pc) =	sbr.rel @p1 .LBB1_5-.Ltmp2, $1  }
0x32: {  	_ =	sdelay $0x3  }
0x33: {  	s16 =	simm.s32 $0x1  }
0x34: {  	_ =	swait.ge [sflag:s4], $0x2000;
	s16 =	simm.s32 @!p0 $0x0  }
0x35: {  	[sflag:s4] =	ssyncset.done $0x0;
	s17 =	sshll.u32 s16, $0xD  }
0x36: {  	[sflag:s4] =	ssyncadd.s32 $0xFFFFE000;
	s17 =	sor.u32 $0x40, s17  }
0x37: {  	s16 =	smul.u32 $0x8200, s16;
	v0 =	vld [tilespmem:s17+$0x30]  }
0x38: {  	v1 =	vld [tilespmem:s17+$0xFFFFFFD0]  }
0x39: {  	s16 =	sshrl.u32 s16, $0x2;
	v5 =	vld [tilespmem:s17+$0xFFFFFFE0]  }
0x3a: {  	v6 =	vld [tilespmem:s17+$0xFFFFFFF0];
	s19 =	sor.u32 $0x4000, s16  }
0x3b: {  	s31 =	sand.u32 $0x1, s13;
	v4 =	vld [tilespmem:s17+$0x0];
	s18 =	sadd.s32 $0x0, s19  }
0x3c: {  	v3 =	vld [tilespmem:s17+$0x10];
	s16 =	smul.u32 $0x8200, s31;
	[tilespmem:s18+$0x1C70 ss:$0x41] =	vst.msk $0xffff, v0  }
0x3d: {  	v2 =	vld [tilespmem:s17+$0x20];
	[tilespmem:s18+$0x410 ss:$0x41] =	vst.msk $0xffff, v1  }
0x3e: {  	s16 =	sshrl.u32 s16, $0x2;
	v1 =	vld [tilespmem:s17+$0xFFFFFFC0];
	[tilespmem:s18+$0x820 ss:$0x41] =	vst.msk $0xffff, v5;
	s17 =	sadd.s32 $0x80, s17  }
0x3f: {  	s20 =	simm.s32 $0x4;
	s21 =	simm.s32 $0x8;
	s16 =	sor.u32 $0x4000, s16;
	[tilespmem:s18+$0xC30 ss:$0x41] =	vst.msk $0xffff, v6;
	v0 =	vld [tilespmem:s17+$0x30]  }
.LBB1_3:
0x40: {  	p1 =	sne.s32 s21, $0xFC;
	v5 =	vld [tilespmem:s17+$0xFFFFFFD0];
	[tilespmem:s18+$0x1040 ss:$0x41] =	vst.msk $0xffff, v4  }
0x41: {  	v6 =	vld [tilespmem:s17+$0xFFFFFFE0];
	[tilespmem:s18+$0x1450 ss:$0x41] =	vst.msk $0xffff, v3  }
0x42: {  	s22 =	sshra.s32 s20, $0x2;
	s20 =	smov.u32 s21;
	v7 =	vld [tilespmem:s17+$0xFFFFFFF0];
	[tilespmem:s18+$0x1860 ss:$0x41] =	vst.msk $0xffff, v2  }
.Ltmp3:
0x43: {  	v4 =	vld [tilespmem:s17+$0x0];
	[tilespmem:s18+$0x0 ss:$0x41] =	vst.msk $0xffff, v1;
	s18 =	sadd.s32 s22, s19;
	(pc) =	sbr.rel @p1 .LBB1_3-.Ltmp3, $4  }
0x44: {  	v3 =	vld [tilespmem:s17+$0x10];
	[tilespmem:s18+$0x1C70 ss:$0x41] =	vst.msk $0xffff, v0  }
0x45: {  	[tilespmem:s18+$0x410 ss:$0x41] =	vst.msk $0xffff, v5;
	v2 =	vld [tilespmem:s17+$0x20]  }
0x46: {  	v1 =	vld [tilespmem:s17+$0xFFFFFFC0];
	[tilespmem:s18+$0x820 ss:$0x41] =	vst.msk $0xffff, v6;
	s17 =	sadd.s32 $0x80, s17  }
0x47: {  	s21 =	sadd.s32 $0x4, s21;
	v0 =	vld [tilespmem:s17+$0x30];
	[tilespmem:s18+$0xC30 ss:$0x41] =	vst.msk $0xffff, v7  }
0x48: {  	s21 =	sshll.u32 s9, $0x7;
	s22 =	sshll.u32 s10, $0x3;
	s20 =	sshra.s32 s20, $0x2  }
0x49: {  	p1 =	sgt.s32 s9, $0xF41C0;
	s30 =	sshra.s32 s9, $0x1F;
	s25 =	sshra.s32 s10, $0x1F  }
0x4a: {  	v5 =	vld [tilespmem:s17+$0xFFFFFFD0];
	s28 =	sshrl.u32 s10, $0x3;
	s23 =	sand.u32 $0xFFFFFC00, s21;
	s22 =	sand.u32 $0xFFFFFC00, s22  }
0x4b: {  	[tilespmem:s18+$0x1040 ss:$0x41] =	vst.msk $0xffff, v4;
	v58 =	vld [tilespmem:s17+$0xFFFFFFE0];
	s21 =	sand.u32 $0x380, s21;
	s19 =	sadd.s32 s20, s19;
	s22 =	sadd.s32 s22, s23  }
0x4c: {  	v59 =	vld [tilespmem:s17+$0xFFFFFFF0];
	[tilespmem:s18+$0x1450 ss:$0x41] =	vst.msk $0xffff, v3;
	s29 =	sor.u32 s21, s22;
	s21 =	smov.u32 s9;
	s22 =	sand.u32 s30, s9  }
0x4d: {  	v60 =	vld [tilespmem:s17+$0x0];
	[tilespmem:s18+$0x1860 ss:$0x41] =	vst.msk $0xffff, v2;
	s30 =	sand.u32 $0x7, s10;
	s20 =	sshrl.u32 s29, $0x7;
	s21 =	simm.s32 @!p1 $0xF41C0  }
0x4e: {  	v61 =	vld [tilespmem:s17+$0x10];
	[tilespmem:s18+$0x0 ss:$0x41] =	vst.msk $0xffff, v1;
	p1 =	sgt.s32 s10, $0x40;
	s24 =	ssub.s32 s21, s22;
	s21 =	smov.u32 s10  }
0x4f: {  	v62 =	vld [tilespmem:s17+$0x20];
	[tilespmem:s19+$0x1C70 ss:$0x41] =	vst.msk $0xffff, v0;
	s31 =	smulhi.u32 $0x218DEF5, s20;
	s22 =	sand.u32 s25, s10;
	s21 =	simm.s32 @!p1 $0x40  }
0x50: {  	v63 =	vld [tilespmem:s17+$0xFFFFFFC0];
	[tilespmem:s19+$0x410 ss:$0x41] =	vst.msk $0xffff, v5;
	s26 =	sadd.s32 $0xFFF0BE40, s24;
	s17 =	ssub.s32 $0xF4240, s24;
	s21 =	ssub.s32 s21, s22  }
0x51: {  	[tilespmem:s19+$0x820 ss:$0x41] =	vst.msk $0xffff, v58;
	s23 =	sshrl.u32 s31, $0xD;
	p1 =	sgt.s32 s26, $0x7F;
	s27 =	sadd.s32 $0xFFFFFFC0, s21  }
0x52: {  	[tilespmem:s19+$0xC30 ss:$0x41] =	vst.msk $0xffff, v59;
	s23 =	smul.u32 $0xF4240, s23;
	s18 =	ssub.s32 $0x80, s21;
	p2 =	sgt.s32 s27, $0x3F  }
.Ltmp4:
0x53: {  	[tilespmem:s19+$0x1040 ss:$0x41] =	vst.msk $0xffff, v60;
	s17 =	simm.s32 @p1 $0x0;
	s18 =	simm.s32 @p2 $0x0;
	(pc) =	sbr.rel .LBB1_5-.Ltmp4, $4  }
0x54: {  	s29 =	sand.u32 $0xF, s28;
	[tilespmem:s19+$0x1450 ss:$0x41] =	vst.msk $0xffff, v61;
	s20 =	ssub.s32 s20, s23;
	s17 =	smul.u32 s18, s17  }
0x55: {  	[tilespmem:s19+$0x1860 ss:$0x41] =	vst.msk $0xffff, v62;
	s21 =	sshll.u32 s30, $0x12;
	s20 =	sshll.u32 s20, $0x4;
	s18 =	sadd.s32 s5, s29  }
0x56: {  	[tilespmem:s19+$0x0 ss:$0x41] =	vst.msk $0xffff, v63;
	s31 =	sor.u32 $0x40, s21;
	s18 =	sadd.s32 s20, s18;
	s17 =	sand.u32 $0x3FFFFFFF, s17  }
0x57: {  	[hbm4b:s18+s31] =	stream.strided.scatter [tilespmem:s16], [sflag:$0x2], s17, s8, s31, $0x18;
	[tilespmem:$0x8100] =	vst v63  }
.LBB1_6:
0x58: {  	_ =	sfence.sel $0x180000  }
0x59: {  	s2 =	simm.s32 $0x1;
	[bflag:$0x0] =	sbarrier.arrive $0xFFFF  }
0x5a: {  	s31 =	simm.s32 $0x2;
	[sflag:s2] =	ssyncpa.u1 $0x1  }
0x5b: {  	[sflag:s31] =	ssyncpa.u1 $0x1  }
0x5c: {  	p0 =	sne.s32 s1, $0x0;
	_ =	strace $0x90000047  }
0x5d: {  	s0 =	sadd.s32 @!p0 $0x100000, s0;
	[bflag:$0x2] =	sbarrier.arrive $0xFFFF  }
0x5e: {  	[sflag:s0] =	ssyncadd.tile.s32 @!p0 $0x1;
	_ =	shalt  }
.Lfunc_end1:
_tile_overlayer_lowered:
.L_overlay_start_2:
0x5f: {  	(tag) =	ssettag $0x2  }
0x60: {  	s0 =	rddreg [dreg:$0x0];
	s2 =	stileid.u32  }
0x61: {  	s1 =	rddreg [dreg:$0x1];
	p0 =	sne.s32 s2, $0x0  }
0x62: {  	s3 =	rddreg [dreg:$0x2];
	[bflag:$0x3] =	sbarrier.arrive $0xFFFF;
	s2 =	simm.s32 @!p0 $0x1C01  }
0x63: {  	[timem:s3], [sflag:s2] =	dma.local @!p0 [hbm:s0], s1  }
0x64: {  	s0 =	simm.s32 @!p0 $0x1  }
0x65: {  	_ =	swait.ge @!p0 [sflag:s0], s1  }
0x66: {  	s1 =	ssub.s32 @!p0 $0x0, s1;
	[sflag:s0] =	ssyncset.done @!p0 $0x0  }
0x67: {  	[sflag:s0] =	ssyncadd.s32 @!p0 s1  }
0x68: {  	[bflag:$0x3] =	sbarrier.arrive $0xFFFF  }
0x69: {  	_ =	shalt  }

// kernel: sparse-core-data-format-call.cloned.1.call-start
scs
called_computation_lowered:
.L_overlay_start_0:
0x0: {  	s2 =	sld [smem:$0x3FD9]  }
0x1: {  	s3 =	sld [smem:$0x3FFE];
	_ =	sdelay $0x1  }
0x2: {  	s1 =	srdreg.scid  }
0x3: {  	s0 =	sand.u32 $0x1, s1  }
0x4: {  	s18 =	sshll.u32 s0, $0xA;
	s2 =	sadd.s32 s3, s2  }
0x5: {  	s2 =	sadd.s32 s2, s18  }
0x6: {  	[smem:$0x3FC6] =	sst s2  }
0x7: {  	_ = 	snop  }
0x8: {  	s2 =	sld [smem:$0x3FD0];
	(tm) =	ssettm $0x1  }
0x9: {  	s19 =	sld [smem:$0x3FFB];
	_ =	sdelay $0x3  }
0xa: {  	_ =	strace s19  }
0xb: {  	s3 =	sld [smem:$0x3FFC];
	_ =	sdelay $0x3  }
0xc: {  	_ =	strace s3  }
0xd: {  	s3 =	sld [smem:$0x3FFD];
	_ =	sdelay $0x3  }
0xe: {  	_ =	strace s3  }
0xf: {  	_ =	strace $0x8FFFFFFF  }
0x10: {  	s20 =	sld [smem:$0x3FDB];
	_ =	sdelay $0x1  }
0x11: {  	s4 =	simm.s32 $_scs_section_size  }
0x12: {  	s5 =	simm.s32 $_size__tile_overlayer_lowered;
	s6 =	simm.s32 $_tile_overlayer_lowered  }
0x13: {  	s23 =	simm.s32 $0x1BFF;
	s22 =	sshll.u32 s6, $0x1;
	s3 =	sadd.s32 s4, s20  }
0x14: {  	s7 =	simm.s32 $0x0;
	s21 =	sshll.u32 s5, $0x1;
	s5 =	sadd.s32 s22, s3  }
0x15: {  	[timem:s7], [sflag:s23] =	dma.local [hbm:s5], s21  }
0x16: {  	_ =	swait.ge [sflag:s23], s21  }
0x17: {  	s4 =	ssub.s32 $0x0, s21;
	[sflag:s23] =	ssyncset.done $0x0  }
0x18: {  	[sflag:s23] =	ssyncadd.s32 s4;
	_ =	sdelay $0x1  }
0x19: {  	s24 =	simm.s32 $0x1B8B  }
0x1a: {  	_ =	swait.ge [sflag:s24], $0x1  }
0x1b: {  	[sflag:s24] =	ssyncset.done $0x0  }
0x1c: {  	s26 =	simm.s32 $0x1B8E;
	s25 =	sld [smem:$0x3FFE];
	[sflag:s24] =	ssyncadd.s32 $0xFFFFFFFF  }
0x1d: {  	s27 =	simm.s32 $execute0_lowered;
	[smem:$0x3FD2] =	sst s26  }
0x1e: {  	s5 =	sshll.u32 s27, $0x1;
	_ =	strace $0x8000004F;
	[dreg:$0x1] =	wrdreg $0xFFFFFFFF  }
0x1f: {  	s28 =	simm.s32 $_size_execute0_lowered;
	s3 =	sadd.s32 s3, s5;
	[dreg:$0x0] =	wrdreg $0x0  }
0x20: {  	s5 =	sshll.u32 s28, $0x1;
	[dreg:$0x2] =	wrdreg s3  }
0x21: {  	[dreg:$0x3] =	wrdreg s5  }
0x22: {  	[dreg:$0x4] =	wrdreg $0xC0  }
0x23: {  	_ =	task [dreg:s7], $0x5FFFF  }
0x24: {  	[dreg:$0x1] =	wrdreg $0xFFFFFFFF  }
0x25: {  	[dreg:$0x0] =	wrdreg $0x60  }
0x26: {  	[dreg:$0x2] =	wrdreg s25  }
0x27: {  	[dreg:$0x3] =	wrdreg s2  }
0x28: {  	[dreg:$0x4] =	wrdreg $0x9  }
0x29: {  	_ =	task.clear_ibuf [dreg:s7], $0x5FFFF;
	_ =	strace $0x9000004F  }
0x2a: {  	s29 =	simm.s32 $0x9;
	_ =	strace $0x80000051  }
0x2b: {  	_ =	swait.ge [sflag:s29], $0x1  }
0x2c: {  	[sflag:s29] =	ssyncadd.s32 $0xFFFFFFFF  }
0x2d: {  	_ =	strace $0x90000051  }
0x2e: {  	_ =	sfence  }
0x2f: {  	s30 =	sld [smem:$0x0];
	_ =	sdelay $0x2  }
0x30: {  	s31 =	sshll.u32 s1, $0xD;
	s1 =	sshrl.u32 s1, $0x2  }
0x31: {  	s3 =	sand.u32 $0x4000, s31;
	s1 =	sadd.s32 s1, s30  }
0x32: {  	s0 =	sor.u32 s3, s0;
	s1 =	sshll.u32 s1, $0x11  }
0x33: {  	s0 =	sor.u32 s1, s0  }
0x34: {  	s0 =	sadd.s32 $0x8F2B, s0  }
0x35: {  	[sflag:s0] =	ssyncadd.remote.s32 $0x1  }
0x36: {  	_ =	sfence.sel $0xFFFF  }
0x37: {  	[dreg:$0x0] =	wrdreg $0xFFFFFFFF;
	(pc) =	sbr.abs _section_cstart, $3  }
0x38: {  	[dreg:$0x1] =	wrdreg $0xFFFFFFFF  }
0x39: {  	_ =	task.clear_ibuf [dreg:s7], $0x2FFFF;
	_ =	strace $0x9FFFFFFF  }
0x3a: {  	(tm) =	ssettm $0x7FFFFFFF  }
0x3b: {  	_ =	shalt  }
tec
execute0_lowered:
.L_overlay_start_1:
0x0: {  	(tag) =	ssettag $0x1  }
0x1: {  	s0 =	srdreg.scid  }
0x2: {  	s1 =	sshll.u32 s0, $0x4  }
0x3: {  	s0 =	stileid.u32;
	s1 =	sand.u32 $0x10, s1  }
0x4: {  	s1 =	sor.u32 s0, s1  }
0x5: {  	s6 =	rddreg [dreg:$0x0];
	s4 =	simm.s32 $0x1;
	s2 =	sshll.u32 s1, $0x7  }
0x6: {  	s7 =	simm.s32 $0x2;
	s12 =	simm.s32 $0x0;
	s1 =	ssub.s32 $0x1000, s2  }
0x7: {  	s8 =	simm.s32 $0x8000;
	s13 =	simm.s32 $0x0;
	s3 =	sand.u32 $0xF80, s1  }
0x8: {  	s9 =	simm.s32 $0x0;
	s5 =	sshrl.u32 s1, $0xC;
	p0 =	sne.s32 s3, $0x0  }
.Ltmp0:
0x9: {  	s1 =	rddreg [dreg:$0x2];
	s4 =	simm.s32 @!p0 $0x0;
	(pc) =	sbr.rel .LBB1_1-.Ltmp0, $4  }
0xa: {  	s11 =	simm.s32 $0x0;
	s3 =	rddreg [dreg:$0x1];
	s5 =	sadd.s32 s4, s5  }
0xb: {  	_ =	strace $0x80000050;
	s4 =	simm.s32 $0x1;
	s5 =	smul.u32 $0xC8, s5  }
0xc: {  	s6 =	sadd.s32 $0x681200, s6;
	s10 =	smov.u32 s2;
	[sflag:s4] =	ssyncpa.u1 $0x0  }
0xd: {  	p0 =	por $0x0, $0x0;
	[sflag:s7] =	ssyncpa.u1 $0x0;
	s7 =	sor.u32 $0x1, s5  }
.LBB1_4:
0xe: {  	s16 =	sshll.u32 s13, $0x3;
	s17 =	sand.u32 $0x78, s13  }
0xf: {  	s30 =	sand.u32 $0x7E00, s13;
	s12 =	sshll.u32 s12, $0xF;
	s16 =	sand.u32 $0xC00, s16  }
0x10: {  	[tilespmem:s15+$0x810 ss:$0x81] =	vst.msk $0xffff, v2;
	s31 =	sand.u32 $0x7, s13;
	s16 =	sor.u32 s17, s16;
	s17 =	sadd.s32 s3, s30  }
0x11: {  	[tilespmem:s15+$0x1020 ss:$0x81] =	vst.msk $0xffff, v0;
	s13 =	sshll.u32 s31, $0x12;
	s12 =	sadd.s32 s12, s17;
	s16 =	sshrl.u32 s16, $0x3  }
0x12: {  	[tilespmem:s15+$0x0 ss:$0x81] =	vst.msk $0xffff, v1;
	s13 =	sor.u32 $0x400, s13;
	s12 =	sadd.s32 s16, s12  }
0x13: {  	[hbm4b:s12+s13] =	stream.strided.scatter [tilespmem:s14], [sflag:$0x2], $0x2000, s8, s13, $0x20;
	[tilespmem:$0x8080] =	vst v63  }
.LBB1_5:
0x14: {  	s14 =	sadd.s32 $0x1, s9  }
0x15: {  	s12 =	sadd.s32 $0x1000, s10;
	s16 =	smov.u32 s10;
	p2 =	sgt.s32 s14, $0xC7  }
0x16: {  	s16 =	smov.u32 @p2 s12  }
0x17: {  	s14 =	simm.s32 @p2 $0x0;
	p2 =	sgt.s32 s16, $0xFFF  }
0x18: {  	s16 =	smov.u32 @p2 s2;
	p2 =	sne.s32 s11, s7  }
.Ltmp1:
0x19: {  	p1 =	slt.u32 s11, $0x2;
	(pc) =	sbr.rel @!p2 .LBB1_6-.Ltmp1, $4  }
0x1a: {  	s15 =	simm.s32 @!p1 $0x2  }
0x1b: {  	s13 =	smov.u32 s10;
	p0 =	por !p0, !p0;
	_ =	swait.ge @!p1 [sflag:s15], $0x2000  }
0x1c: {  	s12 =	smov.u32 s9;
	[sflag:s15] =	ssyncset.done @!p1 $0x0;
	s9 =	smov.u32 s14  }
0x1d: {  	s11 =	sadd.s32 $0x1, s11;
	[sflag:s15] =	ssyncadd.s32 @!p1 $0xFFFFE000;
	s10 =	smov.u32 s16  }
.LBB1_1:
0x1e: {  	p1 =	sge.u32 s11, s5  }
0x1f: {  	s14 =	sand.u32 @!p1 $0x1FFFFFF, s9  }
0x20: {  	s15 =	smulhi.u32 @!p1 $0x147AE15, s14;
	_ =	sdelay $0x1  }
0x21: {  	s15 =	smul.u32 @!p1 $0xC8, s15  }
0x22: {  	s16 =	sxor.u32 @!p1 $0xFFFFFFFF, s11;
	s17 =	smul.u32 @!p1 $0xC80, s10  }
0x23: {  	s31 =	sadd.s32 $0xFFFFFFFF, s11;
	s16 =	sshll.u32 @!p1 s16, $0xD;
	s14 =	ssub.s32 @!p1 s14, s15  }
0x24: {  	s15 =	sand.u32 @!p1 $0x2000, s16;
	s16 =	sadd.s32 @!p1 s6, s17;
	s14 =	sshll.u32 @!p1 s14, $0x4  }
0x25: {  	s17 =	simm.s32 @!p1 $0x6400;
	s14 =	sadd.s32 @!p1 s14, s16;
	s16 =	simm.s32 @!p1 $0x40  }
0x26: {  	[tilespmem:s15], [sflag:$0x1] =	stream.strided.gather @!p1 [hbm4b:s14+s16], $0x2000, s17, s16, $0x38;
	[tilespmem:$0x8080] =	vst v63  }
0x27: {  	p1 =	sge.u32 s31, s5  }
.Ltmp2:
0x28: {  	_ = 	snop;
	(pc) =	sbr.rel @p1 .LBB1_5-.Ltmp2, $1  }
0x29: {  	_ =	sdelay $0x3  }
0x2a: {  	s14 =	simm.s32 $0x1  }
0x2b: {  	_ =	swait.ge [sflag:s4], $0x2000;
	s14 =	simm.s32 @!p0 $0x0  }
0x2c: {  	[sflag:s4] =	ssyncset.done $0x0;
	s15 =	sshll.u32 s14, $0xD  }
0x2d: {  	[sflag:s4] =	ssyncadd.s32 $0xFFFFE000;
	s18 =	sor.u32 $0x20, s15  }
0x2e: {  	s14 =	smul.u32 $0x8100, s14;
	v3 =	vld [tilespmem:s18+$0x10]  }
0x2f: {  	s30 =	sand.u32 $0x1, s11;
	v2 =	vld [tilespmem:s18+$0xFFFFFFF0]  }
0x30: {  	s15 =	smul.u32 $0x8100, s30;
	s14 =	sshrl.u32 s14, $0x2;
	v0 =	vld [tilespmem:s18+$0x0]  }
0x31: {  	v1 =	vld [tilespmem:s18+$0xFFFFFFE0];
	s16 =	sor.u32 $0x4000, s14  }
0x32: {  	s31 =	sshrl.u32 s15, $0x2;
	s15 =	sadd.s32 $0x0, s16  }
0x33: {  	s17 =	simm.s32 $0x4;
	s18 =	sadd.s32 $0x40, s18;
	s14 =	sor.u32 $0x4000, s31;
	[tilespmem:s15+$0x1830 ss:$0x81] =	vst.msk $0xffff, v3  }
.LBB1_3:
0x34: {  	v3 =	vld [tilespmem:s18+$0x10];
	p1 =	sne.s32 s17, $0x1FC;
	[tilespmem:s15+$0x810 ss:$0x81] =	vst.msk $0xffff, v2;
	s19 =	smov.u32 s17;
	s17 =	sadd.s32 $0x4, s17  }
.Ltmp3:
0x35: {  	v2 =	vld [tilespmem:s18+$0xFFFFFFF0];
	[tilespmem:s15+$0x1020 ss:$0x81] =	vst.msk $0xffff, v0;
	(pc) =	sbr.rel @p1 .LBB1_3-.Ltmp3, $4  }
0x36: {  	v0 =	vld [tilespmem:s18+$0x0];
	[tilespmem:s15+$0x0 ss:$0x81] =	vst.msk $0xffff, v1  }
0x37: {  	s15 =	sshra.s32 s19, $0x2;
	v1 =	vld [tilespmem:s18+$0xFFFFFFE0]  }
0x38: {  	s15 =	sadd.s32 s15, s16  }
0x39: {  	s18 =	sadd.s32 $0x40, s18;
	[tilespmem:s15+$0x1830 ss:$0x81] =	vst.msk $0xffff, v3  }
.Ltmp4:
0x3a: {  	_ = 	snop;
	(pc) =	sbr.rel .LBB1_4-.Ltmp4, $1  }
0x3b: {  	_ =	sdelay $0x3  }
.LBB1_6:
0x3c: {  	_ =	sfence.sel $0x180000  }
0x3d: {  	s2 =	simm.s32 $0x1;
	[bflag:$0x0] =	sbarrier.arrive $0xFFFF  }
0x3e: {  	s31 =	simm.s32 $0x2;
	[sflag:s2] =	ssyncpa.u1 $0x1  }
0x3f: {  	[sflag:s31] =	ssyncpa.u1 $0x1  }
0x40: {  	p0 =	sne.s32 s0, $0x0;
	_ =	strace $0x90000050  }
0x41: {  	s0 =	sadd.s32 @!p0 $0x100000, s1;
	[bflag:$0x2] =	sbarrier.arrive $0xFFFF  }
0x42: {  	[sflag:s0] =	ssyncadd.tile.s32 @!p0 $0x1;
	_ =	shalt  }
.Lfunc_end1:
_tile_overlayer_lowered:
.L_overlay_start_2:
0x43: {  	(tag) =	ssettag $0x2  }
0x44: {  	s0 =	rddreg [dreg:$0x0];
	s2 =	stileid.u32  }
0x45: {  	s1 =	rddreg [dreg:$0x1];
	p0 =	sne.s32 s2, $0x0  }
0x46: {  	s3 =	rddreg [dreg:$0x2];
	[bflag:$0x3] =	sbarrier.arrive $0xFFFF;
	s2 =	simm.s32 @!p0 $0x1C01  }
0x47: {  	[timem:s3], [sflag:s2] =	dma.local @!p0 [hbm:s0], s1  }
0x48: {  	s0 =	simm.s32 @!p0 $0x1  }
0x49: {  	_ =	swait.ge @!p0 [sflag:s0], s1  }
0x4a: {  	s1 =	ssub.s32 @!p0 $0x0, s1;
	[sflag:s0] =	ssyncset.done @!p0 $0x0  }
0x4b: {  	[sflag:s0] =	ssyncadd.s32 @!p0 s1  }
0x4c: {  	[bflag:$0x3] =	sbarrier.arrive $0xFFFF  }
0x4d: {  	_ =	shalt  }

</sc_bundles>
